<compile_context>
chip_gen: v7x
topology: tpu7x:2x2x1
jax: 0.10.2.dev20260603
libtpu: 0.0.44.dev20260713+nightly
codegen_flags: <defaults>
</compile_context>

<pallas_src>
import functools

import jax
import jax.numpy as jnp
from jax import lax
from jax.experimental import pallas as pl
from jax.experimental.pallas import tpu as pltpu
from jax.experimental.pallas import tpu_sc as plsc

VOCAB = 100000
EMB = 128
BATCH = 4096
SEQ = 50

_NC = 2
_NS = 16
_NW = _NC * _NS
_BBLK = BATCH // _NW
_NBUF = 7


def _emb_body(xt_hbm, table_hbm, out_hbm, idx_v, rows_v, gsem, osem):
    wid = lax.axis_index("s") * _NC + lax.axis_index("c")

    pltpu.sync_copy(xt_hbm.at[:, wid], idx_v)
    plsc.subcore_barrier()

    def start_gather(j, b):
        pltpu.async_copy(table_hbm.at[idx_v.at[j]], rows_v.at[b], gsem.at[b])

    def wait_gather(b):
        pltpu.make_async_copy(
            table_hbm.at[pl.ds(0, _BBLK)], rows_v.at[b], gsem.at[b]
        ).wait()

    def start_out(j, b):
        pltpu.async_copy(rows_v.at[b], out_hbm.at[j, wid], osem.at[b])

    def wait_out(b):
        pltpu.make_async_copy(rows_v.at[b], out_hbm.at[0, 0], osem.at[b]).wait()

    for b in range(_NBUF):
        start_gather(b, b)

    ngroup = SEQ // _NBUF
    rem = SEQ - ngroup * _NBUF

    def group(g, carry):
        j0 = g * _NBUF
        for b in range(_NBUF):
            wait_gather(b)
            start_out(j0 + b, b)
            nxt = j0 + b + _NBUF

            @pl.when(nxt < SEQ)
            def _():
                wait_out(b)
                start_gather(nxt, b)

        return carry

    lax.fori_loop(0, ngroup, group, 0)

    for b in range(rem):
        wait_gather(b)
        start_out(ngroup * _NBUF + b, b)

    for b in range(_NBUF):
        wait_out(b)


_mesh = plsc.VectorSubcoreMesh(core_axis_name="c", subcore_axis_name="s")

_emb_kernel = functools.partial(
    pl.kernel,
    mesh=_mesh,
    out_type=jax.ShapeDtypeStruct((SEQ, _NW, _BBLK, EMB), jnp.float32),
    scratch_types=[
        pltpu.VMEM((SEQ, _BBLK), jnp.int32),
        pltpu.VMEM((_NBUF, _BBLK, EMB), jnp.float32),
        pltpu.SemaphoreType.DMA((_NBUF,)),
        pltpu.SemaphoreType.DMA((_NBUF,)),
    ],
)(_emb_body)


def kernel(x, table):
    xt = x.astype(jnp.int32).T.reshape(SEQ, _NW, _BBLK)
    out = _emb_kernel(xt, table)
    return jnp.transpose(out.reshape(SEQ, BATCH, EMB), (1, 0, 2))

# --- scband reference (transcript-rebuilt; emitter-appended) ---
"""Pipeline reference for scband-embedding-86423331930510 (READ-ONLY COPY).

The authoritative reference and input builder live on the scoring server;
editing this copy changes nothing except your own understanding.
"""

import jax, jax.numpy as jnp
import numpy as np

VOCAB = 100000
EMB = 128
B = 4096
L = 50
PAD_ID = 0

def setup_inputs(seed: int = 0) -> dict:
    key = jax.random.key(seed)
    k_idx, k_tab = jax.random.split(key)
    x = jax.random.randint(k_idx, (B, L), 0, VOCAB, dtype=jnp.int64 if jax.config.jax_enable_x64 else jnp.int32)
    # Embedding table initialized like gen_embeddings(): randn * 0.01
    table = jax.random.normal(k_tab, (VOCAB, EMB), dtype=jnp.float32) * 0.01
    # nn.Embedding with padding_idx zeroes the pad row
    table = table.at[PAD_ID].set(0.0)
    return {"x": x, "table": table}

def reference(x, table):
    # forward: dropout(embedding(x)); dropout is identity in eval mode,
    # so the deterministic reference is the pure gather.
    out = jnp.take(table, x, axis=0)  # [B, L, EMB]
    return out

if __name__ == "__main__":
    import jax
    _d = setup_inputs()
    print(jax.jit(kernel)(*tuple(_d.values())))

</pallas_src>

<mosaic_0001>
#map = affine_map<(d0, d1) -> (0, 0, 0)>
#map1 = affine_map<(d0, d1) -> (0, 0)>
#map2 = affine_map<(d0, d1) -> (0, 0, 0, 0)>
module attributes {stable_mosaic.version = 14 : i64} {
  func.func @_emb_body(%arg0: i32, %arg1: i32, %arg2: memref<50x32x128xi32, #tpu.memory_space<hbm>>, %arg3: memref<100000x128xf32, #tpu.memory_space<hbm>>, %arg4: memref<50x32x128x128xf32, #tpu.memory_space<hbm>>, %arg5: memref<50x128xi32, #tpu.memory_space<vmem>>, %arg6: memref<7x128x128xf32, #tpu.memory_space<vmem>>, %arg7: memref<7x!tpu.dma_semaphore, #tpu.memory_space<semaphore_mem>>, %arg8: memref<7x!tpu.dma_semaphore, #tpu.memory_space<semaphore_mem>>) attributes {dimension_semantics = [#tpu.dimension_semantics<core_parallel>, #tpu.dimension_semantics<subcore_parallel>], iteration_bounds = array<i64: 2, 16>, scalar_prefetch = 0 : i64, scratch_operands = 4 : i64, tpu.core_type = #tpu.core_type<sc_vector_subcore>, window_params = [{transform_indices = #map}, {transform_indices = #map1}, {transform_indices = #map2}]} {
    %mul3A = arith.constant 2 : i32
    %mul3A_0 = arith.muli %arg1, %mul3A : i32
    %add3A = arith.addi %mul3A_0, %arg0 : i32
    "tpu.region"() ({
      %run_scoped3A = tpu.sem_alloc : memref<!tpu.dma_semaphore, #tpu.memory_space<semaphore_mem>>
      %dma_start3A_302 = arith.constant 0 : i32
      %dma_start3A_303 = arith.constant 0 : i32
      %dma_start3A_304 = tpu.memref_slice %arg2[%dma_start3A_302, %add3A, %dma_start3A_303] : memref<50x32x128xi32, #tpu.memory_space<hbm>> -> memref<50x1x128xi32, #tpu.memory_space<hbm>>
      %dma_start3A_305 = tpu.memref_squeeze %dma_start3A_304 : memref<50x1x128xi32, #tpu.memory_space<hbm>> -> memref<50x128xi32, #tpu.memory_space<hbm>>
      %dma_start3A_306 = arith.constant 0 : i32
      %dma_start3A_307 = arith.constant 0 : i32
      %dma_start3A_308 = tpu.memref_slice %arg2[%dma_start3A_306, %add3A, %dma_start3A_307] : memref<50x32x128xi32, #tpu.memory_space<hbm>> -> memref<50x1x128xi32, #tpu.memory_space<hbm>>
      %dma_start3A_309 = tpu.memref_squeeze %dma_start3A_308 : memref<50x1x128xi32, #tpu.memory_space<hbm>> -> memref<50x128xi32, #tpu.memory_space<hbm>>
      tpu.enqueue_dma source(%dma_start3A_309 : memref<50x128xi32, #tpu.memory_space<hbm>>) target(%arg5 : memref<50x128xi32, #tpu.memory_space<vmem>>) target_semaphore(%run_scoped3A : memref<!tpu.dma_semaphore, #tpu.memory_space<semaphore_mem>>)
      %dma_wait3A_310 = arith.constant 0 : i32
      %dma_wait3A_311 = arith.constant 0 : i32
      %dma_wait3A_312 = tpu.memref_slice %arg2[%dma_wait3A_310, %add3A, %dma_wait3A_311] : memref<50x32x128xi32, #tpu.memory_space<hbm>> -> memref<50x1x128xi32, #tpu.memory_space<hbm>>
      %dma_wait3A_313 = tpu.memref_squeeze %dma_wait3A_312 : memref<50x1x128xi32, #tpu.memory_space<hbm>> -> memref<50x128xi32, #tpu.memory_space<hbm>>
      %dma_wait3A_314 = arith.constant 0 : i32
      %dma_wait3A_315 = arith.constant 0 : i32
      %dma_wait3A_316 = tpu.memref_slice %arg2[%dma_wait3A_314, %add3A, %dma_wait3A_315] : memref<50x32x128xi32, #tpu.memory_space<hbm>> -> memref<50x1x128xi32, #tpu.memory_space<hbm>>
      %dma_wait3A_317 = tpu.memref_squeeze %dma_wait3A_316 : memref<50x1x128xi32, #tpu.memory_space<hbm>> -> memref<50x128xi32, #tpu.memory_space<hbm>>
      tpu.wait_dma2 semaphore(%run_scoped3A : memref<!tpu.dma_semaphore, #tpu.memory_space<semaphore_mem>>) src(%dma_wait3A_317 : memref<50x128xi32, #tpu.memory_space<hbm>>) dst(%arg5 : memref<50x128xi32, #tpu.memory_space<vmem>>)
      tpu.yield
    }) : () -> ()
    %barrier3A = arith.constant 0 : index
    tpu.barrier barrier_id(%barrier3A)
    %dma_start3A = arith.constant 0 : i32
    %dma_start3A_1 = arith.constant 0 : i32
    %dma_start3A_2 = arith.constant 0 : i32
    %dma_start3A_3 = arith.constant 0 : i32
    %dma_start3A_4 = arith.constant 0 : i32
    %dma_start3A_5 = tpu.memref_slice %arg6[%dma_start3A_1, %dma_start3A_3, %dma_start3A_4] : memref<7x128x128xf32, #tpu.memory_space<vmem>> -> memref<1x128x128xf32, #tpu.memory_space<vmem>>
    %dma_start3A_6 = tpu.memref_squeeze %dma_start3A_5 : memref<1x128x128xf32, #tpu.memory_space<vmem>> -> memref<128x128xf32, #tpu.memory_space<vmem>>
    %dma_start3A_7 = arith.constant 0 : i32
    %dma_start3A_8 = tpu.memref_slice %arg5[%dma_start3A, %dma_start3A_7] : memref<50x128xi32, #tpu.memory_space<vmem>> -> memref<1x128xi32, #tpu.memory_space<vmem>>
    %dma_start3A_9 = tpu.memref_squeeze %dma_start3A_8 : memref<1x128xi32, #tpu.memory_space<vmem>> -> memref<128xi32, #tpu.memory_space<vmem>>
    %dma_start3A_10 = arith.constant 0 : i32
    %dma_start3A_11 = arith.constant 0 : i32
    %dma_start3A_12 = tpu.memref_slice %arg3[%dma_start3A_10, %dma_start3A_11] : memref<100000x128xf32, #tpu.memory_space<hbm>> -> memref<100000x128xf32, #tpu.memory_space<hbm>>
    %dma_start3A_13 = tpu.memref_slice %arg7[%dma_start3A_2] : memref<7x!tpu.dma_semaphore, #tpu.memory_space<semaphore_mem>> -> memref<1x!tpu.dma_semaphore, #tpu.memory_space<semaphore_mem>>
    %dma_start3A_14 = tpu.memref_squeeze %dma_start3A_13 : memref<1x!tpu.dma_semaphore, #tpu.memory_space<semaphore_mem>> -> memref<!tpu.dma_semaphore, #tpu.memory_space<semaphore_mem>>
    tpu.enqueue_indirect_dma source(%dma_start3A_12 : memref<100000x128xf32, #tpu.memory_space<hbm>>) target(%dma_start3A_6 : memref<128x128xf32, #tpu.memory_space<vmem>>) offsets(%dma_start3A_9 : memref<128xi32, #tpu.memory_space<vmem>>) semaphore(%dma_start3A_14 : memref<!tpu.dma_semaphore, #tpu.memory_space<semaphore_mem>>)
    %dma_start3A_15 = arith.constant 1 : i32
    %dma_start3A_16 = arith.constant 1 : i32
    %dma_start3A_17 = arith.constant 1 : i32
    %dma_start3A_18 = arith.constant 0 : i32
    %dma_start3A_19 = arith.constant 0 : i32
    %dma_start3A_20 = tpu.memref_slice %arg6[%dma_start3A_16, %dma_start3A_18, %dma_start3A_19] : memref<7x128x128xf32, #tpu.memory_space<vmem>> -> memref<1x128x128xf32, #tpu.memory_space<vmem>>
    %dma_start3A_21 = tpu.memref_squeeze %dma_start3A_20 : memref<1x128x128xf32, #tpu.memory_space<vmem>> -> memref<128x128xf32, #tpu.memory_space<vmem>>
    %dma_start3A_22 = arith.constant 0 : i32
    %dma_start3A_23 = tpu.memref_slice %arg5[%dma_start3A_15, %dma_start3A_22] : memref<50x128xi32, #tpu.memory_space<vmem>> -> memref<1x128xi32, #tpu.memory_space<vmem>>
    %dma_start3A_24 = tpu.memref_squeeze %dma_start3A_23 : memref<1x128xi32, #tpu.memory_space<vmem>> -> memref<128xi32, #tpu.memory_space<vmem>>
    %dma_start3A_25 = arith.constant 0 : i32
    %dma_start3A_26 = arith.constant 0 : i32
    %dma_start3A_27 = tpu.memref_slice %arg3[%dma_start3A_25, %dma_start3A_26] : memref<100000x128xf32, #tpu.memory_space<hbm>> -> memref<100000x128xf32, #tpu.memory_space<hbm>>
    %dma_start3A_28 = tpu.memref_slice %arg7[%dma_start3A_17] : memref<7x!tpu.dma_semaphore, #tpu.memory_space<semaphore_mem>> -> memref<1x!tpu.dma_semaphore, #tpu.memory_space<semaphore_mem>>
    %dma_start3A_29 = tpu.memref_squeeze %dma_start3A_28 : memref<1x!tpu.dma_semaphore, #tpu.memory_space<semaphore_mem>> -> memref<!tpu.dma_semaphore, #tpu.memory_space<semaphore_mem>>
    tpu.enqueue_indirect_dma source(%dma_start3A_27 : memref<100000x128xf32, #tpu.memory_space<hbm>>) target(%dma_start3A_21 : memref<128x128xf32, #tpu.memory_space<vmem>>) offsets(%dma_start3A_24 : memref<128xi32, #tpu.memory_space<vmem>>) semaphore(%dma_start3A_29 : memref<!tpu.dma_semaphore, #tpu.memory_space<semaphore_mem>>)
    %dma_start3A_30 = arith.constant 2 : i32
    %dma_start3A_31 = arith.constant 2 : i32
    %dma_start3A_32 = arith.constant 2 : i32
    %dma_start3A_33 = arith.constant 0 : i32
    %dma_start3A_34 = arith.constant 0 : i32
    %dma_start3A_35 = tpu.memref_slice %arg6[%dma_start3A_31, %dma_start3A_33, %dma_start3A_34] : memref<7x128x128xf32, #tpu.memory_space<vmem>> -> memref<1x128x128xf32, #tpu.memory_space<vmem>>
    %dma_start3A_36 = tpu.memref_squeeze %dma_start3A_35 : memref<1x128x128xf32, #tpu.memory_space<vmem>> -> memref<128x128xf32, #tpu.memory_space<vmem>>
    %dma_start3A_37 = arith.constant 0 : i32
    %dma_start3A_38 = tpu.memref_slice %arg5[%dma_start3A_30, %dma_start3A_37] : memref<50x128xi32, #tpu.memory_space<vmem>> -> memref<1x128xi32, #tpu.memory_space<vmem>>
    %dma_start3A_39 = tpu.memref_squeeze %dma_start3A_38 : memref<1x128xi32, #tpu.memory_space<vmem>> -> memref<128xi32, #tpu.memory_space<vmem>>
    %dma_start3A_40 = arith.constant 0 : i32
    %dma_start3A_41 = arith.constant 0 : i32
    %dma_start3A_42 = tpu.memref_slice %arg3[%dma_start3A_40, %dma_start3A_41] : memref<100000x128xf32, #tpu.memory_space<hbm>> -> memref<100000x128xf32, #tpu.memory_space<hbm>>
    %dma_start3A_43 = tpu.memref_slice %arg7[%dma_start3A_32] : memref<7x!tpu.dma_semaphore, #tpu.memory_space<semaphore_mem>> -> memref<1x!tpu.dma_semaphore, #tpu.memory_space<semaphore_mem>>
    %dma_start3A_44 = tpu.memref_squeeze %dma_start3A_43 : memref<1x!tpu.dma_semaphore, #tpu.memory_space<semaphore_mem>> -> memref<!tpu.dma_semaphore, #tpu.memory_space<semaphore_mem>>
    tpu.enqueue_indirect_dma source(%dma_start3A_42 : memref<100000x128xf32, #tpu.memory_space<hbm>>) target(%dma_start3A_36 : memref<128x128xf32, #tpu.memory_space<vmem>>) offsets(%dma_start3A_39 : memref<128xi32, #tpu.memory_space<vmem>>) semaphore(%dma_start3A_44 : memref<!tpu.dma_semaphore, #tpu.memory_space<semaphore_mem>>)
    %dma_start3A_45 = arith.constant 3 : i32
    %dma_start3A_46 = arith.constant 3 : i32
    %dma_start3A_47 = arith.constant 3 : i32
    %dma_start3A_48 = arith.constant 0 : i32
    %dma_start3A_49 = arith.constant 0 : i32
    %dma_start3A_50 = tpu.memref_slice %arg6[%dma_start3A_46, %dma_start3A_48, %dma_start3A_49] : memref<7x128x128xf32, #tpu.memory_space<vmem>> -> memref<1x128x128xf32, #tpu.memory_space<vmem>>
    %dma_start3A_51 = tpu.memref_squeeze %dma_start3A_50 : memref<1x128x128xf32, #tpu.memory_space<vmem>> -> memref<128x128xf32, #tpu.memory_space<vmem>>
    %dma_start3A_52 = arith.constant 0 : i32
    %dma_start3A_53 = tpu.memref_slice %arg5[%dma_start3A_45, %dma_start3A_52] : memref<50x128xi32, #tpu.memory_space<vmem>> -> memref<1x128xi32, #tpu.memory_space<vmem>>
    %dma_start3A_54 = tpu.memref_squeeze %dma_start3A_53 : memref<1x128xi32, #tpu.memory_space<vmem>> -> memref<128xi32, #tpu.memory_space<vmem>>
    %dma_start3A_55 = arith.constant 0 : i32
    %dma_start3A_56 = arith.constant 0 : i32
    %dma_start3A_57 = tpu.memref_slice %arg3[%dma_start3A_55, %dma_start3A_56] : memref<100000x128xf32, #tpu.memory_space<hbm>> -> memref<100000x128xf32, #tpu.memory_space<hbm>>
    %dma_start3A_58 = tpu.memref_slice %arg7[%dma_start3A_47] : memref<7x!tpu.dma_semaphore, #tpu.memory_space<semaphore_mem>> -> memref<1x!tpu.dma_semaphore, #tpu.memory_space<semaphore_mem>>
    %dma_start3A_59 = tpu.memref_squeeze %dma_start3A_58 : memref<1x!tpu.dma_semaphore, #tpu.memory_space<semaphore_mem>> -> memref<!tpu.dma_semaphore, #tpu.memory_space<semaphore_mem>>
    tpu.enqueue_indirect_dma source(%dma_start3A_57 : memref<100000x128xf32, #tpu.memory_space<hbm>>) target(%dma_start3A_51 : memref<128x128xf32, #tpu.memory_space<vmem>>) offsets(%dma_start3A_54 : memref<128xi32, #tpu.memory_space<vmem>>) semaphore(%dma_start3A_59 : memref<!tpu.dma_semaphore, #tpu.memory_space<semaphore_mem>>)
    %dma_start3A_60 = arith.constant 4 : i32
    %dma_start3A_61 = arith.constant 4 : i32
    %dma_start3A_62 = arith.constant 4 : i32
    %dma_start3A_63 = arith.constant 0 : i32
    %dma_start3A_64 = arith.constant 0 : i32
    %dma_start3A_65 = tpu.memref_slice %arg6[%dma_start3A_61, %dma_start3A_63, %dma_start3A_64] : memref<7x128x128xf32, #tpu.memory_space<vmem>> -> memref<1x128x128xf32, #tpu.memory_space<vmem>>
    %dma_start3A_66 = tpu.memref_squeeze %dma_start3A_65 : memref<1x128x128xf32, #tpu.memory_space<vmem>> -> memref<128x128xf32, #tpu.memory_space<vmem>>
    %dma_start3A_67 = arith.constant 0 : i32
    %dma_start3A_68 = tpu.memref_slice %arg5[%dma_start3A_60, %dma_start3A_67] : memref<50x128xi32, #tpu.memory_space<vmem>> -> memref<1x128xi32, #tpu.memory_space<vmem>>
    %dma_start3A_69 = tpu.memref_squeeze %dma_start3A_68 : memref<1x128xi32, #tpu.memory_space<vmem>> -> memref<128xi32, #tpu.memory_space<vmem>>
    %dma_start3A_70 = arith.constant 0 : i32
    %dma_start3A_71 = arith.constant 0 : i32
    %dma_start3A_72 = tpu.memref_slice %arg3[%dma_start3A_70, %dma_start3A_71] : memref<100000x128xf32, #tpu.memory_space<hbm>> -> memref<100000x128xf32, #tpu.memory_space<hbm>>
    %dma_start3A_73 = tpu.memref_slice %arg7[%dma_start3A_62] : memref<7x!tpu.dma_semaphore, #tpu.memory_space<semaphore_mem>> -> memref<1x!tpu.dma_semaphore, #tpu.memory_space<semaphore_mem>>
    %dma_start3A_74 = tpu.memref_squeeze %dma_start3A_73 : memref<1x!tpu.dma_semaphore, #tpu.memory_space<semaphore_mem>> -> memref<!tpu.dma_semaphore, #tpu.memory_space<semaphore_mem>>
    tpu.enqueue_indirect_dma source(%dma_start3A_72 : memref<100000x128xf32, #tpu.memory_space<hbm>>) target(%dma_start3A_66 : memref<128x128xf32, #tpu.memory_space<vmem>>) offsets(%dma_start3A_69 : memref<128xi32, #tpu.memory_space<vmem>>) semaphore(%dma_start3A_74 : memref<!tpu.dma_semaphore, #tpu.memory_space<semaphore_mem>>)
    %dma_start3A_75 = arith.constant 5 : i32
    %dma_start3A_76 = arith.constant 5 : i32
    %dma_start3A_77 = arith.constant 5 : i32
    %dma_start3A_78 = arith.constant 0 : i32
    %dma_start3A_79 = arith.constant 0 : i32
    %dma_start3A_80 = tpu.memref_slice %arg6[%dma_start3A_76, %dma_start3A_78, %dma_start3A_79] : memref<7x128x128xf32, #tpu.memory_space<vmem>> -> memref<1x128x128xf32, #tpu.memory_space<vmem>>
    %dma_start3A_81 = tpu.memref_squeeze %dma_start3A_80 : memref<1x128x128xf32, #tpu.memory_space<vmem>> -> memref<128x128xf32, #tpu.memory_space<vmem>>
    %dma_start3A_82 = arith.constant 0 : i32
    %dma_start3A_83 = tpu.memref_slice %arg5[%dma_start3A_75, %dma_start3A_82] : memref<50x128xi32, #tpu.memory_space<vmem>> -> memref<1x128xi32, #tpu.memory_space<vmem>>
    %dma_start3A_84 = tpu.memref_squeeze %dma_start3A_83 : memref<1x128xi32, #tpu.memory_space<vmem>> -> memref<128xi32, #tpu.memory_space<vmem>>
    %dma_start3A_85 = arith.constant 0 : i32
    %dma_start3A_86 = arith.constant 0 : i32
    %dma_start3A_87 = tpu.memref_slice %arg3[%dma_start3A_85, %dma_start3A_86] : memref<100000x128xf32, #tpu.memory_space<hbm>> -> memref<100000x128xf32, #tpu.memory_space<hbm>>
    %dma_start3A_88 = tpu.memref_slice %arg7[%dma_start3A_77] : memref<7x!tpu.dma_semaphore, #tpu.memory_space<semaphore_mem>> -> memref<1x!tpu.dma_semaphore, #tpu.memory_space<semaphore_mem>>
    %dma_start3A_89 = tpu.memref_squeeze %dma_start3A_88 : memref<1x!tpu.dma_semaphore, #tpu.memory_space<semaphore_mem>> -> memref<!tpu.dma_semaphore, #tpu.memory_space<semaphore_mem>>
    tpu.enqueue_indirect_dma source(%dma_start3A_87 : memref<100000x128xf32, #tpu.memory_space<hbm>>) target(%dma_start3A_81 : memref<128x128xf32, #tpu.memory_space<vmem>>) offsets(%dma_start3A_84 : memref<128xi32, #tpu.memory_space<vmem>>) semaphore(%dma_start3A_89 : memref<!tpu.dma_semaphore, #tpu.memory_space<semaphore_mem>>)
    %dma_start3A_90 = arith.constant 6 : i32
    %dma_start3A_91 = arith.constant 6 : i32
    %dma_start3A_92 = arith.constant 6 : i32
    %dma_start3A_93 = arith.constant 0 : i32
    %dma_start3A_94 = arith.constant 0 : i32
    %dma_start3A_95 = tpu.memref_slice %arg6[%dma_start3A_91, %dma_start3A_93, %dma_start3A_94] : memref<7x128x128xf32, #tpu.memory_space<vmem>> -> memref<1x128x128xf32, #tpu.memory_space<vmem>>
    %dma_start3A_96 = tpu.memref_squeeze %dma_start3A_95 : memref<1x128x128xf32, #tpu.memory_space<vmem>> -> memref<128x128xf32, #tpu.memory_space<vmem>>
    %dma_start3A_97 = arith.constant 0 : i32
    %dma_start3A_98 = tpu.memref_slice %arg5[%dma_start3A_90, %dma_start3A_97] : memref<50x128xi32, #tpu.memory_space<vmem>> -> memref<1x128xi32, #tpu.memory_space<vmem>>
    %dma_start3A_99 = tpu.memref_squeeze %dma_start3A_98 : memref<1x128xi32, #tpu.memory_space<vmem>> -> memref<128xi32, #tpu.memory_space<vmem>>
    %dma_start3A_100 = arith.constant 0 : i32
    %dma_start3A_101 = arith.constant 0 : i32
    %dma_start3A_102 = tpu.memref_slice %arg3[%dma_start3A_100, %dma_start3A_101] : memref<100000x128xf32, #tpu.memory_space<hbm>> -> memref<100000x128xf32, #tpu.memory_space<hbm>>
    %dma_start3A_103 = tpu.memref_slice %arg7[%dma_start3A_92] : memref<7x!tpu.dma_semaphore, #tpu.memory_space<semaphore_mem>> -> memref<1x!tpu.dma_semaphore, #tpu.memory_space<semaphore_mem>>
    %dma_start3A_104 = tpu.memref_squeeze %dma_start3A_103 : memref<1x!tpu.dma_semaphore, #tpu.memory_space<semaphore_mem>> -> memref<!tpu.dma_semaphore, #tpu.memory_space<semaphore_mem>>
    tpu.enqueue_indirect_dma source(%dma_start3A_102 : memref<100000x128xf32, #tpu.memory_space<hbm>>) target(%dma_start3A_96 : memref<128x128xf32, #tpu.memory_space<vmem>>) offsets(%dma_start3A_99 : memref<128xi32, #tpu.memory_space<vmem>>) semaphore(%dma_start3A_104 : memref<!tpu.dma_semaphore, #tpu.memory_space<semaphore_mem>>)
    %scan3A = arith.constant 0 : i32
    %scan3A_105 = arith.constant 0 : i32
    %scan3A_106 = arith.constant 7 : i32
    %scan3A_107 = arith.addi %scan3A_105, %scan3A_106 : i32
    %scan3A_108 = arith.constant 1 : i32
    scf.for %scan3A_302 = %scan3A_105 to %scan3A_107 step %scan3A_108  : i32 {
      %mul3A_303 = arith.constant 7 : i32
      %mul3A_304 = arith.muli %scan3A_302, %mul3A_303 : i32
      %dma_wait3A_305 = arith.constant 0 : i32
      %dma_wait3A_306 = arith.constant 0 : i32
      %dma_wait3A_307 = arith.constant 0 : i32
      %dma_wait3A_308 = arith.constant 0 : i32
      %dma_wait3A_309 = tpu.memref_slice %arg6[%dma_wait3A_305, %dma_wait3A_307, %dma_wait3A_308] : memref<7x128x128xf32, #tpu.memory_space<vmem>> -> memref<1x128x128xf32, #tpu.memory_space<vmem>>
      %dma_wait3A_310 = tpu.memref_squeeze %dma_wait3A_309 : memref<1x128x128xf32, #tpu.memory_space<vmem>> -> memref<128x128xf32, #tpu.memory_space<vmem>>
      %dma_wait3A_311 = arith.constant 0 : i32
      %dma_wait3A_312 = arith.constant 0 : i32
      %dma_wait3A_313 = tpu.memref_slice %arg3[%dma_wait3A_311, %dma_wait3A_312] : memref<100000x128xf32, #tpu.memory_space<hbm>> -> memref<128x128xf32, #tpu.memory_space<hbm>>
      %dma_wait3A_314 = tpu.memref_slice %arg7[%dma_wait3A_306] : memref<7x!tpu.dma_semaphore, #tpu.memory_space<semaphore_mem>> -> memref<1x!tpu.dma_semaphore, #tpu.memory_space<semaphore_mem>>
      %dma_wait3A_315 = tpu.memref_squeeze %dma_wait3A_314 : memref<1x!tpu.dma_semaphore, #tpu.memory_space<semaphore_mem>> -> memref<!tpu.dma_semaphore, #tpu.memory_space<semaphore_mem>>
      %dma_wait3A_316 = arith.constant 0 : i32
      %dma_wait3A_317 = arith.constant 0 : i32
      %dma_wait3A_318 = tpu.memref_slice %arg6[%dma_wait3A_305, %dma_wait3A_316, %dma_wait3A_317] : memref<7x128x128xf32, #tpu.memory_space<vmem>> -> memref<1x128x128xf32, #tpu.memory_space<vmem>>
      %dma_wait3A_319 = tpu.memref_squeeze %dma_wait3A_318 : memref<1x128x128xf32, #tpu.memory_space<vmem>> -> memref<128x128xf32, #tpu.memory_space<vmem>>
      %dma_wait3A_320 = arith.constant 0 : i32
      %dma_wait3A_321 = arith.constant 0 : i32
      %dma_wait3A_322 = tpu.memref_slice %arg3[%dma_wait3A_320, %dma_wait3A_321] : memref<100000x128xf32, #tpu.memory_space<hbm>> -> memref<128x128xf32, #tpu.memory_space<hbm>>
      tpu.wait_dma2 semaphore(%dma_wait3A_315 : memref<!tpu.dma_semaphore, #tpu.memory_space<semaphore_mem>>) src(%dma_wait3A_322 : memref<128x128xf32, #tpu.memory_space<hbm>>) dst(%dma_wait3A_319 : memref<128x128xf32, #tpu.memory_space<vmem>>)
      %add3A_323 = arith.constant 0 : i32
      %add3A_324 = arith.addi %mul3A_304, %add3A_323 : i32
      %dma_start3A_325 = arith.constant 0 : i32
      %dma_start3A_326 = arith.constant 0 : i32
      %dma_start3A_327 = arith.constant 0 : i32
      %dma_start3A_328 = arith.constant 0 : i32
      %dma_start3A_329 = tpu.memref_slice %arg6[%dma_start3A_325, %dma_start3A_327, %dma_start3A_328] : memref<7x128x128xf32, #tpu.memory_space<vmem>> -> memref<1x128x128xf32, #tpu.memory_space<vmem>>
      %dma_start3A_330 = tpu.memref_squeeze %dma_start3A_329 : memref<1x128x128xf32, #tpu.memory_space<vmem>> -> memref<128x128xf32, #tpu.memory_space<vmem>>
      %dma_start3A_331 = arith.constant 0 : i32
      %dma_start3A_332 = arith.constant 0 : i32
      %dma_start3A_333 = tpu.memref_slice %arg4[%add3A_324, %add3A, %dma_start3A_331, %dma_start3A_332] : memref<50x32x128x128xf32, #tpu.memory_space<hbm>> -> memref<1x1x128x128xf32, #tpu.memory_space<hbm>>
      %dma_start3A_334 = tpu.memref_squeeze %dma_start3A_333 : memref<1x1x128x128xf32, #tpu.memory_space<hbm>> -> memref<128x128xf32, #tpu.memory_space<hbm>>
      %dma_start3A_335 = tpu.memref_slice %arg8[%dma_start3A_326] : memref<7x!tpu.dma_semaphore, #tpu.memory_space<semaphore_mem>> -> memref<1x!tpu.dma_semaphore, #tpu.memory_space<semaphore_mem>>
      %dma_start3A_336 = tpu.memref_squeeze %dma_start3A_335 : memref<1x!tpu.dma_semaphore, #tpu.memory_space<semaphore_mem>> -> memref<!tpu.dma_semaphore, #tpu.memory_space<semaphore_mem>>
      %dma_start3A_337 = arith.constant 0 : i32
      %dma_start3A_338 = arith.constant 0 : i32
      %dma_start3A_339 = tpu.memref_slice %arg4[%add3A_324, %add3A, %dma_start3A_337, %dma_start3A_338] : memref<50x32x128x128xf32, #tpu.memory_space<hbm>> -> memref<1x1x128x128xf32, #tpu.memory_space<hbm>>
      %dma_start3A_340 = tpu.memref_squeeze %dma_start3A_339 : memref<1x1x128x128xf32, #tpu.memory_space<hbm>> -> memref<128x128xf32, #tpu.memory_space<hbm>>
      %dma_start3A_341 = arith.constant 0 : i32
      %dma_start3A_342 = arith.constant 0 : i32
      %dma_start3A_343 = tpu.memref_slice %arg6[%dma_start3A_325, %dma_start3A_341, %dma_start3A_342] : memref<7x128x128xf32, #tpu.memory_space<vmem>> -> memref<1x128x128xf32, #tpu.memory_space<vmem>>
      %dma_start3A_344 = tpu.memref_squeeze %dma_start3A_343 : memref<1x128x128xf32, #tpu.memory_space<vmem>> -> memref<128x128xf32, #tpu.memory_space<vmem>>
      tpu.enqueue_dma source(%dma_start3A_344 : memref<128x128xf32, #tpu.memory_space<vmem>>) target(%dma_start3A_340 : memref<128x128xf32, #tpu.memory_space<hbm>>) target_semaphore(%dma_start3A_336 : memref<!tpu.dma_semaphore, #tpu.memory_space<semaphore_mem>>)
      %add3A_345 = arith.constant 0 : i32
      %add3A_346 = arith.addi %mul3A_304, %add3A_345 : i32
      %add3A_347 = arith.constant 7 : i32
      %add3A_348 = arith.addi %add3A_346, %add3A_347 : i32
      %lt3A = arith.constant 50 : i32
      %lt3A_349 = arith.cmpi slt, %add3A_348, %lt3A : i32
      %convert_element_type3A = arith.extui %lt3A_349 : i1 to i32
      %cond3A = arith.constant 0 : i32
      %cond3A_350 = arith.cmpi ne, %convert_element_type3A, %cond3A : i32
      scf.if %cond3A_350 {
        %dma_wait3A_645 = arith.constant 0 : i32
        %dma_wait3A_646 = arith.constant 0 : i32
        %dma_wait3A_647 = arith.constant 0 : i32
        %dma_wait3A_648 = arith.constant 0 : i32
        %dma_wait3A_649 = arith.constant 0 : i32
        %dma_wait3A_650 = arith.constant 0 : i32
        %dma_wait3A_651 = tpu.memref_slice %arg6[%dma_wait3A_645, %dma_wait3A_649, %dma_wait3A_650] : memref<7x128x128xf32, #tpu.memory_space<vmem>> -> memref<1x128x128xf32, #tpu.memory_space<vmem>>
        %dma_wait3A_652 = tpu.memref_squeeze %dma_wait3A_651 : memref<1x128x128xf32, #tpu.memory_space<vmem>> -> memref<128x128xf32, #tpu.memory_space<vmem>>
        %dma_wait3A_653 = arith.constant 0 : i32
        %dma_wait3A_654 = arith.constant 0 : i32
        %dma_wait3A_655 = tpu.memref_slice %arg4[%dma_wait3A_646, %dma_wait3A_647, %dma_wait3A_653, %dma_wait3A_654] : memref<50x32x128x128xf32, #tpu.memory_space<hbm>> -> memref<1x1x128x128xf32, #tpu.memory_space<hbm>>
        %dma_wait3A_656 = tpu.memref_squeeze %dma_wait3A_655 : memref<1x1x128x128xf32, #tpu.memory_space<hbm>> -> memref<128x128xf32, #tpu.memory_space<hbm>>
        %dma_wait3A_657 = tpu.memref_slice %arg8[%dma_wait3A_648] : memref<7x!tpu.dma_semaphore, #tpu.memory_space<semaphore_mem>> -> memref<1x!tpu.dma_semaphore, #tpu.memory_space<semaphore_mem>>
        %dma_wait3A_658 = tpu.memref_squeeze %dma_wait3A_657 : memref<1x!tpu.dma_semaphore, #tpu.memory_space<semaphore_mem>> -> memref<!tpu.dma_semaphore, #tpu.memory_space<semaphore_mem>>
        %dma_wait3A_659 = arith.constant 0 : i32
        %dma_wait3A_660 = arith.constant 0 : i32
        %dma_wait3A_661 = tpu.memref_slice %arg4[%dma_wait3A_646, %dma_wait3A_647, %dma_wait3A_659, %dma_wait3A_660] : memref<50x32x128x128xf32, #tpu.memory_space<hbm>> -> memref<1x1x128x128xf32, #tpu.memory_space<hbm>>
        %dma_wait3A_662 = tpu.memref_squeeze %dma_wait3A_661 : memref<1x1x128x128xf32, #tpu.memory_space<hbm>> -> memref<128x128xf32, #tpu.memory_space<hbm>>
        %dma_wait3A_663 = arith.constant 0 : i32
        %dma_wait3A_664 = arith.constant 0 : i32
        %dma_wait3A_665 = tpu.memref_slice %arg6[%dma_wait3A_645, %dma_wait3A_663, %dma_wait3A_664] : memref<7x128x128xf32, #tpu.memory_space<vmem>> -> memref<1x128x128xf32, #tpu.memory_space<vmem>>
        %dma_wait3A_666 = tpu.memref_squeeze %dma_wait3A_665 : memref<1x128x128xf32, #tpu.memory_space<vmem>> -> memref<128x128xf32, #tpu.memory_space<vmem>>
        tpu.wait_dma2 semaphore(%dma_wait3A_658 : memref<!tpu.dma_semaphore, #tpu.memory_space<semaphore_mem>>) src(%dma_wait3A_666 : memref<128x128xf32, #tpu.memory_space<vmem>>) dst(%dma_wait3A_662 : memref<128x128xf32, #tpu.memory_space<hbm>>)
        %dma_start3A_667 = arith.constant 0 : i32
        %dma_start3A_668 = arith.constant 0 : i32
        %dma_start3A_669 = arith.constant 0 : i32
        %dma_start3A_670 = arith.constant 0 : i32
        %dma_start3A_671 = tpu.memref_slice %arg6[%dma_start3A_667, %dma_start3A_669, %dma_start3A_670] : memref<7x128x128xf32, #tpu.memory_space<vmem>> -> memref<1x128x128xf32, #tpu.memory_space<vmem>>
        %dma_start3A_672 = tpu.memref_squeeze %dma_start3A_671 : memref<1x128x128xf32, #tpu.memory_space<vmem>> -> memref<128x128xf32, #tpu.memory_space<vmem>>
        %dma_start3A_673 = arith.constant 0 : i32
        %dma_start3A_674 = tpu.memref_slice %arg5[%add3A_348, %dma_start3A_673] : memref<50x128xi32, #tpu.memory_space<vmem>> -> memref<1x128xi32, #tpu.memory_space<vmem>>
        %dma_start3A_675 = tpu.memref_squeeze %dma_start3A_674 : memref<1x128xi32, #tpu.memory_space<vmem>> -> memref<128xi32, #tpu.memory_space<vmem>>
        %dma_start3A_676 = arith.constant 0 : i32
        %dma_start3A_677 = arith.constant 0 : i32
        %dma_start3A_678 = tpu.memref_slice %arg3[%dma_start3A_676, %dma_start3A_677] : memref<100000x128xf32, #tpu.memory_space<hbm>> -> memref<100000x128xf32, #tpu.memory_space<hbm>>
        %dma_start3A_679 = tpu.memref_slice %arg7[%dma_start3A_668] : memref<7x!tpu.dma_semaphore, #tpu.memory_space<semaphore_mem>> -> memref<1x!tpu.dma_semaphore, #tpu.memory_space<semaphore_mem>>
        %dma_start3A_680 = tpu.memref_squeeze %dma_start3A_679 : memref<1x!tpu.dma_semaphore, #tpu.memory_space<semaphore_mem>> -> memref<!tpu.dma_semaphore, #tpu.memory_space<semaphore_mem>>
        tpu.enqueue_indirect_dma source(%dma_start3A_678 : memref<100000x128xf32, #tpu.memory_space<hbm>>) target(%dma_start3A_672 : memref<128x128xf32, #tpu.memory_space<vmem>>) offsets(%dma_start3A_675 : memref<128xi32, #tpu.memory_space<vmem>>) semaphore(%dma_start3A_680 : memref<!tpu.dma_semaphore, #tpu.memory_space<semaphore_mem>>)
      } else {
      }
      %dma_wait3A_351 = arith.constant 1 : i32
      %dma_wait3A_352 = arith.constant 1 : i32
      %dma_wait3A_353 = arith.constant 0 : i32
      %dma_wait3A_354 = arith.constant 0 : i32
      %dma_wait3A_355 = tpu.memref_slice %arg6[%dma_wait3A_351, %dma_wait3A_353, %dma_wait3A_354] : memref<7x128x128xf32, #tpu.memory_space<vmem>> -> memref<1x128x128xf32, #tpu.memory_space<vmem>>
      %dma_wait3A_356 = tpu.memref_squeeze %dma_wait3A_355 : memref<1x128x128xf32, #tpu.memory_space<vmem>> -> memref<128x128xf32, #tpu.memory_space<vmem>>
      %dma_wait3A_357 = arith.constant 0 : i32
      %dma_wait3A_358 = arith.constant 0 : i32
      %dma_wait3A_359 = tpu.memref_slice %arg3[%dma_wait3A_357, %dma_wait3A_358] : memref<100000x128xf32, #tpu.memory_space<hbm>> -> memref<128x128xf32, #tpu.memory_space<hbm>>
      %dma_wait3A_360 = tpu.memref_slice %arg7[%dma_wait3A_352] : memref<7x!tpu.dma_semaphore, #tpu.memory_space<semaphore_mem>> -> memref<1x!tpu.dma_semaphore, #tpu.memory_space<semaphore_mem>>
      %dma_wait3A_361 = tpu.memref_squeeze %dma_wait3A_360 : memref<1x!tpu.dma_semaphore, #tpu.memory_space<semaphore_mem>> -> memref<!tpu.dma_semaphore, #tpu.memory_space<semaphore_mem>>
      %dma_wait3A_362 = arith.constant 0 : i32
      %dma_wait3A_363 = arith.constant 0 : i32
      %dma_wait3A_364 = tpu.memref_slice %arg6[%dma_wait3A_351, %dma_wait3A_362, %dma_wait3A_363] : memref<7x128x128xf32, #tpu.memory_space<vmem>> -> memref<1x128x128xf32, #tpu.memory_space<vmem>>
      %dma_wait3A_365 = tpu.memref_squeeze %dma_wait3A_364 : memref<1x128x128xf32, #tpu.memory_space<vmem>> -> memref<128x128xf32, #tpu.memory_space<vmem>>
      %dma_wait3A_366 = arith.constant 0 : i32
      %dma_wait3A_367 = arith.constant 0 : i32
      %dma_wait3A_368 = tpu.memref_slice %arg3[%dma_wait3A_366, %dma_wait3A_367] : memref<100000x128xf32, #tpu.memory_space<hbm>> -> memref<128x128xf32, #tpu.memory_space<hbm>>
      tpu.wait_dma2 semaphore(%dma_wait3A_361 : memref<!tpu.dma_semaphore, #tpu.memory_space<semaphore_mem>>) src(%dma_wait3A_368 : memref<128x128xf32, #tpu.memory_space<hbm>>) dst(%dma_wait3A_365 : memref<128x128xf32, #tpu.memory_space<vmem>>)
      %add3A_369 = arith.constant 1 : i32
      %add3A_370 = arith.addi %mul3A_304, %add3A_369 : i32
      %dma_start3A_371 = arith.constant 1 : i32
      %dma_start3A_372 = arith.constant 1 : i32
      %dma_start3A_373 = arith.constant 0 : i32
      %dma_start3A_374 = arith.constant 0 : i32
      %dma_start3A_375 = tpu.memref_slice %arg6[%dma_start3A_371, %dma_start3A_373, %dma_start3A_374] : memref<7x128x128xf32, #tpu.memory_space<vmem>> -> memref<1x128x128xf32, #tpu.memory_space<vmem>>
      %dma_start3A_376 = tpu.memref_squeeze %dma_start3A_375 : memref<1x128x128xf32, #tpu.memory_space<vmem>> -> memref<128x128xf32, #tpu.memory_space<vmem>>
      %dma_start3A_377 = arith.constant 0 : i32
      %dma_start3A_378 = arith.constant 0 : i32
      %dma_start3A_379 = tpu.memref_slice %arg4[%add3A_370, %add3A, %dma_start3A_377, %dma_start3A_378] : memref<50x32x128x128xf32, #tpu.memory_space<hbm>> -> memref<1x1x128x128xf32, #tpu.memory_space<hbm>>
      %dma_start3A_380 = tpu.memref_squeeze %dma_start3A_379 : memref<1x1x128x128xf32, #tpu.memory_space<hbm>> -> memref<128x128xf32, #tpu.memory_space<hbm>>
      %dma_start3A_381 = tpu.memref_slice %arg8[%dma_start3A_372] : memref<7x!tpu.dma_semaphore, #tpu.memory_space<semaphore_mem>> -> memref<1x!tpu.dma_semaphore, #tpu.memory_space<semaphore_mem>>
      %dma_start3A_382 = tpu.memref_squeeze %dma_start3A_381 : memref<1x!tpu.dma_semaphore, #tpu.memory_space<semaphore_mem>> -> memref<!tpu.dma_semaphore, #tpu.memory_space<semaphore_mem>>
      %dma_start3A_383 = arith.constant 0 : i32
      %dma_start3A_384 = arith.constant 0 : i32
      %dma_start3A_385 = tpu.memref_slice %arg4[%add3A_370, %add3A, %dma_start3A_383, %dma_start3A_384] : memref<50x32x128x128xf32, #tpu.memory_space<hbm>> -> memref<1x1x128x128xf32, #tpu.memory_space<hbm>>
      %dma_start3A_386 = tpu.memref_squeeze %dma_start3A_385 : memref<1x1x128x128xf32, #tpu.memory_space<hbm>> -> memref<128x128xf32, #tpu.memory_space<hbm>>
      %dma_start3A_387 = arith.constant 0 : i32
      %dma_start3A_388 = arith.constant 0 : i32
      %dma_start3A_389 = tpu.memref_slice %arg6[%dma_start3A_371, %dma_start3A_387, %dma_start3A_388] : memref<7x128x128xf32, #tpu.memory_space<vmem>> -> memref<1x128x128xf32, #tpu.memory_space<vmem>>
      %dma_start3A_390 = tpu.memref_squeeze %dma_start3A_389 : memref<1x128x128xf32, #tpu.memory_space<vmem>> -> memref<128x128xf32, #tpu.memory_space<vmem>>
      tpu.enqueue_dma source(%dma_start3A_390 : memref<128x128xf32, #tpu.memory_space<vmem>>) target(%dma_start3A_386 : memref<128x128xf32, #tpu.memory_space<hbm>>) target_semaphore(%dma_start3A_382 : memref<!tpu.dma_semaphore, #tpu.memory_space<semaphore_mem>>)
      %add3A_391 = arith.constant 1 : i32
      %add3A_392 = arith.addi %mul3A_304, %add3A_391 : i32
      %add3A_393 = arith.constant 7 : i32
      %add3A_394 = arith.addi %add3A_392, %add3A_393 : i32
      %lt3A_395 = arith.constant 50 : i32
      %lt3A_396 = arith.cmpi slt, %add3A_394, %lt3A_395 : i32
      %convert_element_type3A_397 = arith.extui %lt3A_396 : i1 to i32
      %cond3A_398 = arith.constant 0 : i32
      %cond3A_399 = arith.cmpi ne, %convert_element_type3A_397, %cond3A_398 : i32
      scf.if %cond3A_399 {
        %dma_wait3A_645 = arith.constant 1 : i32
        %dma_wait3A_646 = arith.constant 0 : i32
        %dma_wait3A_647 = arith.constant 0 : i32
        %dma_wait3A_648 = arith.constant 1 : i32
        %dma_wait3A_649 = arith.constant 0 : i32
        %dma_wait3A_650 = arith.constant 0 : i32
        %dma_wait3A_651 = tpu.memref_slice %arg6[%dma_wait3A_645, %dma_wait3A_649, %dma_wait3A_650] : memref<7x128x128xf32, #tpu.memory_space<vmem>> -> memref<1x128x128xf32, #tpu.memory_space<vmem>>
        %dma_wait3A_652 = tpu.memref_squeeze %dma_wait3A_651 : memref<1x128x128xf32, #tpu.memory_space<vmem>> -> memref<128x128xf32, #tpu.memory_space<vmem>>
        %dma_wait3A_653 = arith.constant 0 : i32
        %dma_wait3A_654 = arith.constant 0 : i32
        %dma_wait3A_655 = tpu.memref_slice %arg4[%dma_wait3A_646, %dma_wait3A_647, %dma_wait3A_653, %dma_wait3A_654] : memref<50x32x128x128xf32, #tpu.memory_space<hbm>> -> memref<1x1x128x128xf32, #tpu.memory_space<hbm>>
        %dma_wait3A_656 = tpu.memref_squeeze %dma_wait3A_655 : memref<1x1x128x128xf32, #tpu.memory_space<hbm>> -> memref<128x128xf32, #tpu.memory_space<hbm>>
        %dma_wait3A_657 = tpu.memref_slice %arg8[%dma_wait3A_648] : memref<7x!tpu.dma_semaphore, #tpu.memory_space<semaphore_mem>> -> memref<1x!tpu.dma_semaphore, #tpu.memory_space<semaphore_mem>>
        %dma_wait3A_658 = tpu.memref_squeeze %dma_wait3A_657 : memref<1x!tpu.dma_semaphore, #tpu.memory_space<semaphore_mem>> -> memref<!tpu.dma_semaphore, #tpu.memory_space<semaphore_mem>>
        %dma_wait3A_659 = arith.constant 0 : i32
        %dma_wait3A_660 = arith.constant 0 : i32
        %dma_wait3A_661 = tpu.memref_slice %arg4[%dma_wait3A_646, %dma_wait3A_647, %dma_wait3A_659, %dma_wait3A_660] : memref<50x32x128x128xf32, #tpu.memory_space<hbm>> -> memref<1x1x128x128xf32, #tpu.memory_space<hbm>>
        %dma_wait3A_662 = tpu.memref_squeeze %dma_wait3A_661 : memref<1x1x128x128xf32, #tpu.memory_space<hbm>> -> memref<128x128xf32, #tpu.memory_space<hbm>>
        %dma_wait3A_663 = arith.constant 0 : i32
        %dma_wait3A_664 = arith.constant 0 : i32
        %dma_wait3A_665 = tpu.memref_slice %arg6[%dma_wait3A_645, %dma_wait3A_663, %dma_wait3A_664] : memref<7x128x128xf32, #tpu.memory_space<vmem>> -> memref<1x128x128xf32, #tpu.memory_space<vmem>>
        %dma_wait3A_666 = tpu.memref_squeeze %dma_wait3A_665 : memref<1x128x128xf32, #tpu.memory_space<vmem>> -> memref<128x128xf32, #tpu.memory_space<vmem>>
        tpu.wait_dma2 semaphore(%dma_wait3A_658 : memref<!tpu.dma_semaphore, #tpu.memory_space<semaphore_mem>>) src(%dma_wait3A_666 : memref<128x128xf32, #tpu.memory_space<vmem>>) dst(%dma_wait3A_662 : memref<128x128xf32, #tpu.memory_space<hbm>>)
        %dma_start3A_667 = arith.constant 1 : i32
        %dma_start3A_668 = arith.constant 1 : i32
        %dma_start3A_669 = arith.constant 0 : i32
        %dma_start3A_670 = arith.constant 0 : i32
        %dma_start3A_671 = tpu.memref_slice %arg6[%dma_start3A_667, %dma_start3A_669, %dma_start3A_670] : memref<7x128x128xf32, #tpu.memory_space<vmem>> -> memref<1x128x128xf32, #tpu.memory_space<vmem>>
        %dma_start3A_672 = tpu.memref_squeeze %dma_start3A_671 : memref<1x128x128xf32, #tpu.memory_space<vmem>> -> memref<128x128xf32, #tpu.memory_space<vmem>>
        %dma_start3A_673 = arith.constant 0 : i32
        %dma_start3A_674 = tpu.memref_slice %arg5[%add3A_394, %dma_start3A_673] : memref<50x128xi32, #tpu.memory_space<vmem>> -> memref<1x128xi32, #tpu.memory_space<vmem>>
        %dma_start3A_675 = tpu.memref_squeeze %dma_start3A_674 : memref<1x128xi32, #tpu.memory_space<vmem>> -> memref<128xi32, #tpu.memory_space<vmem>>
        %dma_start3A_676 = arith.constant 0 : i32
        %dma_start3A_677 = arith.constant 0 : i32
        %dma_start3A_678 = tpu.memref_slice %arg3[%dma_start3A_676, %dma_start3A_677] : memref<100000x128xf32, #tpu.memory_space<hbm>> -> memref<100000x128xf32, #tpu.memory_space<hbm>>
        %dma_start3A_679 = tpu.memref_slice %arg7[%dma_start3A_668] : memref<7x!tpu.dma_semaphore, #tpu.memory_space<semaphore_mem>> -> memref<1x!tpu.dma_semaphore, #tpu.memory_space<semaphore_mem>>
        %dma_start3A_680 = tpu.memref_squeeze %dma_start3A_679 : memref<1x!tpu.dma_semaphore, #tpu.memory_space<semaphore_mem>> -> memref<!tpu.dma_semaphore, #tpu.memory_space<semaphore_mem>>
        tpu.enqueue_indirect_dma source(%dma_start3A_678 : memref<100000x128xf32, #tpu.memory_space<hbm>>) target(%dma_start3A_672 : memref<128x128xf32, #tpu.memory_space<vmem>>) offsets(%dma_start3A_675 : memref<128xi32, #tpu.memory_space<vmem>>) semaphore(%dma_start3A_680 : memref<!tpu.dma_semaphore, #tpu.memory_space<semaphore_mem>>)
      } else {
      }
      %dma_wait3A_400 = arith.constant 2 : i32
      %dma_wait3A_401 = arith.constant 2 : i32
      %dma_wait3A_402 = arith.constant 0 : i32
      %dma_wait3A_403 = arith.constant 0 : i32
      %dma_wait3A_404 = tpu.memref_slice %arg6[%dma_wait3A_400, %dma_wait3A_402, %dma_wait3A_403] : memref<7x128x128xf32, #tpu.memory_space<vmem>> -> memref<1x128x128xf32, #tpu.memory_space<vmem>>
      %dma_wait3A_405 = tpu.memref_squeeze %dma_wait3A_404 : memref<1x128x128xf32, #tpu.memory_space<vmem>> -> memref<128x128xf32, #tpu.memory_space<vmem>>
      %dma_wait3A_406 = arith.constant 0 : i32
      %dma_wait3A_407 = arith.constant 0 : i32
      %dma_wait3A_408 = tpu.memref_slice %arg3[%dma_wait3A_406, %dma_wait3A_407] : memref<100000x128xf32, #tpu.memory_space<hbm>> -> memref<128x128xf32, #tpu.memory_space<hbm>>
      %dma_wait3A_409 = tpu.memref_slice %arg7[%dma_wait3A_401] : memref<7x!tpu.dma_semaphore, #tpu.memory_space<semaphore_mem>> -> memref<1x!tpu.dma_semaphore, #tpu.memory_space<semaphore_mem>>
      %dma_wait3A_410 = tpu.memref_squeeze %dma_wait3A_409 : memref<1x!tpu.dma_semaphore, #tpu.memory_space<semaphore_mem>> -> memref<!tpu.dma_semaphore, #tpu.memory_space<semaphore_mem>>
      %dma_wait3A_411 = arith.constant 0 : i32
      %dma_wait3A_412 = arith.constant 0 : i32
      %dma_wait3A_413 = tpu.memref_slice %arg6[%dma_wait3A_400, %dma_wait3A_411, %dma_wait3A_412] : memref<7x128x128xf32, #tpu.memory_space<vmem>> -> memref<1x128x128xf32, #tpu.memory_space<vmem>>
      %dma_wait3A_414 = tpu.memref_squeeze %dma_wait3A_413 : memref<1x128x128xf32, #tpu.memory_space<vmem>> -> memref<128x128xf32, #tpu.memory_space<vmem>>
      %dma_wait3A_415 = arith.constant 0 : i32
      %dma_wait3A_416 = arith.constant 0 : i32
      %dma_wait3A_417 = tpu.memref_slice %arg3[%dma_wait3A_415, %dma_wait3A_416] : memref<100000x128xf32, #tpu.memory_space<hbm>> -> memref<128x128xf32, #tpu.memory_space<hbm>>
      tpu.wait_dma2 semaphore(%dma_wait3A_410 : memref<!tpu.dma_semaphore, #tpu.memory_space<semaphore_mem>>) src(%dma_wait3A_417 : memref<128x128xf32, #tpu.memory_space<hbm>>) dst(%dma_wait3A_414 : memref<128x128xf32, #tpu.memory_space<vmem>>)
      %add3A_418 = arith.constant 2 : i32
      %add3A_419 = arith.addi %mul3A_304, %add3A_418 : i32
      %dma_start3A_420 = arith.constant 2 : i32
      %dma_start3A_421 = arith.constant 2 : i32
      %dma_start3A_422 = arith.constant 0 : i32
      %dma_start3A_423 = arith.constant 0 : i32
      %dma_start3A_424 = tpu.memref_slice %arg6[%dma_start3A_420, %dma_start3A_422, %dma_start3A_423] : memref<7x128x128xf32, #tpu.memory_space<vmem>> -> memref<1x128x128xf32, #tpu.memory_space<vmem>>
      %dma_start3A_425 = tpu.memref_squeeze %dma_start3A_424 : memref<1x128x128xf32, #tpu.memory_space<vmem>> -> memref<128x128xf32, #tpu.memory_space<vmem>>
      %dma_start3A_426 = arith.constant 0 : i32
      %dma_start3A_427 = arith.constant 0 : i32
      %dma_start3A_428 = tpu.memref_slice %arg4[%add3A_419, %add3A, %dma_start3A_426, %dma_start3A_427] : memref<50x32x128x128xf32, #tpu.memory_space<hbm>> -> memref<1x1x128x128xf32, #tpu.memory_space<hbm>>
      %dma_start3A_429 = tpu.memref_squeeze %dma_start3A_428 : memref<1x1x128x128xf32, #tpu.memory_space<hbm>> -> memref<128x128xf32, #tpu.memory_space<hbm>>
      %dma_start3A_430 = tpu.memref_slice %arg8[%dma_start3A_421] : memref<7x!tpu.dma_semaphore, #tpu.memory_space<semaphore_mem>> -> memref<1x!tpu.dma_semaphore, #tpu.memory_space<semaphore_mem>>
      %dma_start3A_431 = tpu.memref_squeeze %dma_start3A_430 : memref<1x!tpu.dma_semaphore, #tpu.memory_space<semaphore_mem>> -> memref<!tpu.dma_semaphore, #tpu.memory_space<semaphore_mem>>
      %dma_start3A_432 = arith.constant 0 : i32
      %dma_start3A_433 = arith.constant 0 : i32
      %dma_start3A_434 = tpu.memref_slice %arg4[%add3A_419, %add3A, %dma_start3A_432, %dma_start3A_433] : memref<50x32x128x128xf32, #tpu.memory_space<hbm>> -> memref<1x1x128x128xf32, #tpu.memory_space<hbm>>
      %dma_start3A_435 = tpu.memref_squeeze %dma_start3A_434 : memref<1x1x128x128xf32, #tpu.memory_space<hbm>> -> memref<128x128xf32, #tpu.memory_space<hbm>>
      %dma_start3A_436 = arith.constant 0 : i32
      %dma_start3A_437 = arith.constant 0 : i32
      %dma_start3A_438 = tpu.memref_slice %arg6[%dma_start3A_420, %dma_start3A_436, %dma_start3A_437] : memref<7x128x128xf32, #tpu.memory_space<vmem>> -> memref<1x128x128xf32, #tpu.memory_space<vmem>>
      %dma_start3A_439 = tpu.memref_squeeze %dma_start3A_438 : memref<1x128x128xf32, #tpu.memory_space<vmem>> -> memref<128x128xf32, #tpu.memory_space<vmem>>
      tpu.enqueue_dma source(%dma_start3A_439 : memref<128x128xf32, #tpu.memory_space<vmem>>) target(%dma_start3A_435 : memref<128x128xf32, #tpu.memory_space<hbm>>) target_semaphore(%dma_start3A_431 : memref<!tpu.dma_semaphore, #tpu.memory_space<semaphore_mem>>)
      %add3A_440 = arith.constant 2 : i32
      %add3A_441 = arith.addi %mul3A_304, %add3A_440 : i32
      %add3A_442 = arith.constant 7 : i32
      %add3A_443 = arith.addi %add3A_441, %add3A_442 : i32
      %lt3A_444 = arith.constant 50 : i32
      %lt3A_445 = arith.cmpi slt, %add3A_443, %lt3A_444 : i32
      %convert_element_type3A_446 = arith.extui %lt3A_445 : i1 to i32
      %cond3A_447 = arith.constant 0 : i32
      %cond3A_448 = arith.cmpi ne, %convert_element_type3A_446, %cond3A_447 : i32
      scf.if %cond3A_448 {
        %dma_wait3A_645 = arith.constant 2 : i32
        %dma_wait3A_646 = arith.constant 0 : i32
        %dma_wait3A_647 = arith.constant 0 : i32
        %dma_wait3A_648 = arith.constant 2 : i32
        %dma_wait3A_649 = arith.constant 0 : i32
        %dma_wait3A_650 = arith.constant 0 : i32
        %dma_wait3A_651 = tpu.memref_slice %arg6[%dma_wait3A_645, %dma_wait3A_649, %dma_wait3A_650] : memref<7x128x128xf32, #tpu.memory_space<vmem>> -> memref<1x128x128xf32, #tpu.memory_space<vmem>>
        %dma_wait3A_652 = tpu.memref_squeeze %dma_wait3A_651 : memref<1x128x128xf32, #tpu.memory_space<vmem>> -> memref<128x128xf32, #tpu.memory_space<vmem>>
        %dma_wait3A_653 = arith.constant 0 : i32
        %dma_wait3A_654 = arith.constant 0 : i32
        %dma_wait3A_655 = tpu.memref_slice %arg4[%dma_wait3A_646, %dma_wait3A_647, %dma_wait3A_653, %dma_wait3A_654] : memref<50x32x128x128xf32, #tpu.memory_space<hbm>> -> memref<1x1x128x128xf32, #tpu.memory_space<hbm>>
        %dma_wait3A_656 = tpu.memref_squeeze %dma_wait3A_655 : memref<1x1x128x128xf32, #tpu.memory_space<hbm>> -> memref<128x128xf32, #tpu.memory_space<hbm>>
        %dma_wait3A_657 = tpu.memref_slice %arg8[%dma_wait3A_648] : memref<7x!tpu.dma_semaphore, #tpu.memory_space<semaphore_mem>> -> memref<1x!tpu.dma_semaphore, #tpu.memory_space<semaphore_mem>>
        %dma_wait3A_658 = tpu.memref_squeeze %dma_wait3A_657 : memref<1x!tpu.dma_semaphore, #tpu.memory_space<semaphore_mem>> -> memref<!tpu.dma_semaphore, #tpu.memory_space<semaphore_mem>>
        %dma_wait3A_659 = arith.constant 0 : i32
        %dma_wait3A_660 = arith.constant 0 : i32
        %dma_wait3A_661 = tpu.memref_slice %arg4[%dma_wait3A_646, %dma_wait3A_647, %dma_wait3A_659, %dma_wait3A_660] : memref<50x32x128x128xf32, #tpu.memory_space<hbm>> -> memref<1x1x128x128xf32, #tpu.memory_space<hbm>>
        %dma_wait3A_662 = tpu.memref_squeeze %dma_wait3A_661 : memref<1x1x128x128xf32, #tpu.memory_space<hbm>> -> memref<128x128xf32, #tpu.memory_space<hbm>>
        %dma_wait3A_663 = arith.constant 0 : i32
        %dma_wait3A_664 = arith.constant 0 : i32
        %dma_wait3A_665 = tpu.memref_slice %arg6[%dma_wait3A_645, %dma_wait3A_663, %dma_wait3A_664] : memref<7x128x128xf32, #tpu.memory_space<vmem>> -> memref<1x128x128xf32, #tpu.memory_space<vmem>>
        %dma_wait3A_666 = tpu.memref_squeeze %dma_wait3A_665 : memref<1x128x128xf32, #tpu.memory_space<vmem>> -> memref<128x128xf32, #tpu.memory_space<vmem>>
        tpu.wait_dma2 semaphore(%dma_wait3A_658 : memref<!tpu.dma_semaphore, #tpu.memory_space<semaphore_mem>>) src(%dma_wait3A_666 : memref<128x128xf32, #tpu.memory_space<vmem>>) dst(%dma_wait3A_662 : memref<128x128xf32, #tpu.memory_space<hbm>>)
        %dma_start3A_667 = arith.constant 2 : i32
        %dma_start3A_668 = arith.constant 2 : i32
        %dma_start3A_669 = arith.constant 0 : i32
        %dma_start3A_670 = arith.constant 0 : i32
        %dma_start3A_671 = tpu.memref_slice %arg6[%dma_start3A_667, %dma_start3A_669, %dma_start3A_670] : memref<7x128x128xf32, #tpu.memory_space<vmem>> -> memref<1x128x128xf32, #tpu.memory_space<vmem>>
        %dma_start3A_672 = tpu.memref_squeeze %dma_start3A_671 : memref<1x128x128xf32, #tpu.memory_space<vmem>> -> memref<128x128xf32, #tpu.memory_space<vmem>>
        %dma_start3A_673 = arith.constant 0 : i32
        %dma_start3A_674 = tpu.memref_slice %arg5[%add3A_443, %dma_start3A_673] : memref<50x128xi32, #tpu.memory_space<vmem>> -> memref<1x128xi32, #tpu.memory_space<vmem>>
        %dma_start3A_675 = tpu.memref_squeeze %dma_start3A_674 : memref<1x128xi32, #tpu.memory_space<vmem>> -> memref<128xi32, #tpu.memory_space<vmem>>
        %dma_start3A_676 = arith.constant 0 : i32
        %dma_start3A_677 = arith.constant 0 : i32
        %dma_start3A_678 = tpu.memref_slice %arg3[%dma_start3A_676, %dma_start3A_677] : memref<100000x128xf32, #tpu.memory_space<hbm>> -> memref<100000x128xf32, #tpu.memory_space<hbm>>
        %dma_start3A_679 = tpu.memref_slice %arg7[%dma_start3A_668] : memref<7x!tpu.dma_semaphore, #tpu.memory_space<semaphore_mem>> -> memref<1x!tpu.dma_semaphore, #tpu.memory_space<semaphore_mem>>
        %dma_start3A_680 = tpu.memref_squeeze %dma_start3A_679 : memref<1x!tpu.dma_semaphore, #tpu.memory_space<semaphore_mem>> -> memref<!tpu.dma_semaphore, #tpu.memory_space<semaphore_mem>>
        tpu.enqueue_indirect_dma source(%dma_start3A_678 : memref<100000x128xf32, #tpu.memory_space<hbm>>) target(%dma_start3A_672 : memref<128x128xf32, #tpu.memory_space<vmem>>) offsets(%dma_start3A_675 : memref<128xi32, #tpu.memory_space<vmem>>) semaphore(%dma_start3A_680 : memref<!tpu.dma_semaphore, #tpu.memory_space<semaphore_mem>>)
      } else {
      }
      %dma_wait3A_449 = arith.constant 3 : i32
      %dma_wait3A_450 = arith.constant 3 : i32
      %dma_wait3A_451 = arith.constant 0 : i32
      %dma_wait3A_452 = arith.constant 0 : i32
      %dma_wait3A_453 = tpu.memref_slice %arg6[%dma_wait3A_449, %dma_wait3A_451, %dma_wait3A_452] : memref<7x128x128xf32, #tpu.memory_space<vmem>> -> memref<1x128x128xf32, #tpu.memory_space<vmem>>
      %dma_wait3A_454 = tpu.memref_squeeze %dma_wait3A_453 : memref<1x128x128xf32, #tpu.memory_space<vmem>> -> memref<128x128xf32, #tpu.memory_space<vmem>>
      %dma_wait3A_455 = arith.constant 0 : i32
      %dma_wait3A_456 = arith.constant 0 : i32
      %dma_wait3A_457 = tpu.memref_slice %arg3[%dma_wait3A_455, %dma_wait3A_456] : memref<100000x128xf32, #tpu.memory_space<hbm>> -> memref<128x128xf32, #tpu.memory_space<hbm>>
      %dma_wait3A_458 = tpu.memref_slice %arg7[%dma_wait3A_450] : memref<7x!tpu.dma_semaphore, #tpu.memory_space<semaphore_mem>> -> memref<1x!tpu.dma_semaphore, #tpu.memory_space<semaphore_mem>>
      %dma_wait3A_459 = tpu.memref_squeeze %dma_wait3A_458 : memref<1x!tpu.dma_semaphore, #tpu.memory_space<semaphore_mem>> -> memref<!tpu.dma_semaphore, #tpu.memory_space<semaphore_mem>>
      %dma_wait3A_460 = arith.constant 0 : i32
      %dma_wait3A_461 = arith.constant 0 : i32
      %dma_wait3A_462 = tpu.memref_slice %arg6[%dma_wait3A_449, %dma_wait3A_460, %dma_wait3A_461] : memref<7x128x128xf32, #tpu.memory_space<vmem>> -> memref<1x128x128xf32, #tpu.memory_space<vmem>>
      %dma_wait3A_463 = tpu.memref_squeeze %dma_wait3A_462 : memref<1x128x128xf32, #tpu.memory_space<vmem>> -> memref<128x128xf32, #tpu.memory_space<vmem>>
      %dma_wait3A_464 = arith.constant 0 : i32
      %dma_wait3A_465 = arith.constant 0 : i32
      %dma_wait3A_466 = tpu.memref_slice %arg3[%dma_wait3A_464, %dma_wait3A_465] : memref<100000x128xf32, #tpu.memory_space<hbm>> -> memref<128x128xf32, #tpu.memory_space<hbm>>
      tpu.wait_dma2 semaphore(%dma_wait3A_459 : memref<!tpu.dma_semaphore, #tpu.memory_space<semaphore_mem>>) src(%dma_wait3A_466 : memref<128x128xf32, #tpu.memory_space<hbm>>) dst(%dma_wait3A_463 : memref<128x128xf32, #tpu.memory_space<vmem>>)
      %add3A_467 = arith.constant 3 : i32
      %add3A_468 = arith.addi %mul3A_304, %add3A_467 : i32
      %dma_start3A_469 = arith.constant 3 : i32
      %dma_start3A_470 = arith.constant 3 : i32
      %dma_start3A_471 = arith.constant 0 : i32
      %dma_start3A_472 = arith.constant 0 : i32
      %dma_start3A_473 = tpu.memref_slice %arg6[%dma_start3A_469, %dma_start3A_471, %dma_start3A_472] : memref<7x128x128xf32, #tpu.memory_space<vmem>> -> memref<1x128x128xf32, #tpu.memory_space<vmem>>
      %dma_start3A_474 = tpu.memref_squeeze %dma_start3A_473 : memref<1x128x128xf32, #tpu.memory_space<vmem>> -> memref<128x128xf32, #tpu.memory_space<vmem>>
      %dma_start3A_475 = arith.constant 0 : i32
      %dma_start3A_476 = arith.constant 0 : i32
      %dma_start3A_477 = tpu.memref_slice %arg4[%add3A_468, %add3A, %dma_start3A_475, %dma_start3A_476] : memref<50x32x128x128xf32, #tpu.memory_space<hbm>> -> memref<1x1x128x128xf32, #tpu.memory_space<hbm>>
      %dma_start3A_478 = tpu.memref_squeeze %dma_start3A_477 : memref<1x1x128x128xf32, #tpu.memory_space<hbm>> -> memref<128x128xf32, #tpu.memory_space<hbm>>
      %dma_start3A_479 = tpu.memref_slice %arg8[%dma_start3A_470] : memref<7x!tpu.dma_semaphore, #tpu.memory_space<semaphore_mem>> -> memref<1x!tpu.dma_semaphore, #tpu.memory_space<semaphore_mem>>
      %dma_start3A_480 = tpu.memref_squeeze %dma_start3A_479 : memref<1x!tpu.dma_semaphore, #tpu.memory_space<semaphore_mem>> -> memref<!tpu.dma_semaphore, #tpu.memory_space<semaphore_mem>>
      %dma_start3A_481 = arith.constant 0 : i32
      %dma_start3A_482 = arith.constant 0 : i32
      %dma_start3A_483 = tpu.memref_slice %arg4[%add3A_468, %add3A, %dma_start3A_481, %dma_start3A_482] : memref<50x32x128x128xf32, #tpu.memory_space<hbm>> -> memref<1x1x128x128xf32, #tpu.memory_space<hbm>>
      %dma_start3A_484 = tpu.memref_squeeze %dma_start3A_483 : memref<1x1x128x128xf32, #tpu.memory_space<hbm>> -> memref<128x128xf32, #tpu.memory_space<hbm>>
      %dma_start3A_485 = arith.constant 0 : i32
      %dma_start3A_486 = arith.constant 0 : i32
      %dma_start3A_487 = tpu.memref_slice %arg6[%dma_start3A_469, %dma_start3A_485, %dma_start3A_486] : memref<7x128x128xf32, #tpu.memory_space<vmem>> -> memref<1x128x128xf32, #tpu.memory_space<vmem>>
      %dma_start3A_488 = tpu.memref_squeeze %dma_start3A_487 : memref<1x128x128xf32, #tpu.memory_space<vmem>> -> memref<128x128xf32, #tpu.memory_space<vmem>>
      tpu.enqueue_dma source(%dma_start3A_488 : memref<128x128xf32, #tpu.memory_space<vmem>>) target(%dma_start3A_484 : memref<128x128xf32, #tpu.memory_space<hbm>>) target_semaphore(%dma_start3A_480 : memref<!tpu.dma_semaphore, #tpu.memory_space<semaphore_mem>>)
      %add3A_489 = arith.constant 3 : i32
      %add3A_490 = arith.addi %mul3A_304, %add3A_489 : i32
      %add3A_491 = arith.constant 7 : i32
      %add3A_492 = arith.addi %add3A_490, %add3A_491 : i32
      %lt3A_493 = arith.constant 50 : i32
      %lt3A_494 = arith.cmpi slt, %add3A_492, %lt3A_493 : i32
      %convert_element_type3A_495 = arith.extui %lt3A_494 : i1 to i32
      %cond3A_496 = arith.constant 0 : i32
      %cond3A_497 = arith.cmpi ne, %convert_element_type3A_495, %cond3A_496 : i32
      scf.if %cond3A_497 {
        %dma_wait3A_645 = arith.constant 3 : i32
        %dma_wait3A_646 = arith.constant 0 : i32
        %dma_wait3A_647 = arith.constant 0 : i32
        %dma_wait3A_648 = arith.constant 3 : i32
        %dma_wait3A_649 = arith.constant 0 : i32
        %dma_wait3A_650 = arith.constant 0 : i32
        %dma_wait3A_651 = tpu.memref_slice %arg6[%dma_wait3A_645, %dma_wait3A_649, %dma_wait3A_650] : memref<7x128x128xf32, #tpu.memory_space<vmem>> -> memref<1x128x128xf32, #tpu.memory_space<vmem>>
        %dma_wait3A_652 = tpu.memref_squeeze %dma_wait3A_651 : memref<1x128x128xf32, #tpu.memory_space<vmem>> -> memref<128x128xf32, #tpu.memory_space<vmem>>
        %dma_wait3A_653 = arith.constant 0 : i32
        %dma_wait3A_654 = arith.constant 0 : i32
        %dma_wait3A_655 = tpu.memref_slice %arg4[%dma_wait3A_646, %dma_wait3A_647, %dma_wait3A_653, %dma_wait3A_654] : memref<50x32x128x128xf32, #tpu.memory_space<hbm>> -> memref<1x1x128x128xf32, #tpu.memory_space<hbm>>
        %dma_wait3A_656 = tpu.memref_squeeze %dma_wait3A_655 : memref<1x1x128x128xf32, #tpu.memory_space<hbm>> -> memref<128x128xf32, #tpu.memory_space<hbm>>
        %dma_wait3A_657 = tpu.memref_slice %arg8[%dma_wait3A_648] : memref<7x!tpu.dma_semaphore, #tpu.memory_space<semaphore_mem>> -> memref<1x!tpu.dma_semaphore, #tpu.memory_space<semaphore_mem>>
        %dma_wait3A_658 = tpu.memref_squeeze %dma_wait3A_657 : memref<1x!tpu.dma_semaphore, #tpu.memory_space<semaphore_mem>> -> memref<!tpu.dma_semaphore, #tpu.memory_space<semaphore_mem>>
        %dma_wait3A_659 = arith.constant 0 : i32
        %dma_wait3A_660 = arith.constant 0 : i32
        %dma_wait3A_661 = tpu.memref_slice %arg4[%dma_wait3A_646, %dma_wait3A_647, %dma_wait3A_659, %dma_wait3A_660] : memref<50x32x128x128xf32, #tpu.memory_space<hbm>> -> memref<1x1x128x128xf32, #tpu.memory_space<hbm>>
        %dma_wait3A_662 = tpu.memref_squeeze %dma_wait3A_661 : memref<1x1x128x128xf32, #tpu.memory_space<hbm>> -> memref<128x128xf32, #tpu.memory_space<hbm>>
        %dma_wait3A_663 = arith.constant 0 : i32
        %dma_wait3A_664 = arith.constant 0 : i32
        %dma_wait3A_665 = tpu.memref_slice %arg6[%dma_wait3A_645, %dma_wait3A_663, %dma_wait3A_664] : memref<7x128x128xf32, #tpu.memory_space<vmem>> -> memref<1x128x128xf32, #tpu.memory_space<vmem>>
        %dma_wait3A_666 = tpu.memref_squeeze %dma_wait3A_665 : memref<1x128x128xf32, #tpu.memory_space<vmem>> -> memref<128x128xf32, #tpu.memory_space<vmem>>
        tpu.wait_dma2 semaphore(%dma_wait3A_658 : memref<!tpu.dma_semaphore, #tpu.memory_space<semaphore_mem>>) src(%dma_wait3A_666 : memref<128x128xf32, #tpu.memory_space<vmem>>) dst(%dma_wait3A_662 : memref<128x128xf32, #tpu.memory_space<hbm>>)
        %dma_start3A_667 = arith.constant 3 : i32
        %dma_start3A_668 = arith.constant 3 : i32
        %dma_start3A_669 = arith.constant 0 : i32
        %dma_start3A_670 = arith.constant 0 : i32
        %dma_start3A_671 = tpu.memref_slice %arg6[%dma_start3A_667, %dma_start3A_669, %dma_start3A_670] : memref<7x128x128xf32, #tpu.memory_space<vmem>> -> memref<1x128x128xf32, #tpu.memory_space<vmem>>
        %dma_start3A_672 = tpu.memref_squeeze %dma_start3A_671 : memref<1x128x128xf32, #tpu.memory_space<vmem>> -> memref<128x128xf32, #tpu.memory_space<vmem>>
        %dma_start3A_673 = arith.constant 0 : i32
        %dma_start3A_674 = tpu.memref_slice %arg5[%add3A_492, %dma_start3A_673] : memref<50x128xi32, #tpu.memory_space<vmem>> -> memref<1x128xi32, #tpu.memory_space<vmem>>
        %dma_start3A_675 = tpu.memref_squeeze %dma_start3A_674 : memref<1x128xi32, #tpu.memory_space<vmem>> -> memref<128xi32, #tpu.memory_space<vmem>>
        %dma_start3A_676 = arith.constant 0 : i32
        %dma_start3A_677 = arith.constant 0 : i32
        %dma_start3A_678 = tpu.memref_slice %arg3[%dma_start3A_676, %dma_start3A_677] : memref<100000x128xf32, #tpu.memory_space<hbm>> -> memref<100000x128xf32, #tpu.memory_space<hbm>>
        %dma_start3A_679 = tpu.memref_slice %arg7[%dma_start3A_668] : memref<7x!tpu.dma_semaphore, #tpu.memory_space<semaphore_mem>> -> memref<1x!tpu.dma_semaphore, #tpu.memory_space<semaphore_mem>>
        %dma_start3A_680 = tpu.memref_squeeze %dma_start3A_679 : memref<1x!tpu.dma_semaphore, #tpu.memory_space<semaphore_mem>> -> memref<!tpu.dma_semaphore, #tpu.memory_space<semaphore_mem>>
        tpu.enqueue_indirect_dma source(%dma_start3A_678 : memref<100000x128xf32, #tpu.memory_space<hbm>>) target(%dma_start3A_672 : memref<128x128xf32, #tpu.memory_space<vmem>>) offsets(%dma_start3A_675 : memref<128xi32, #tpu.memory_space<vmem>>) semaphore(%dma_start3A_680 : memref<!tpu.dma_semaphore, #tpu.memory_space<semaphore_mem>>)
      } else {
      }
      %dma_wait3A_498 = arith.constant 4 : i32
      %dma_wait3A_499 = arith.constant 4 : i32
      %dma_wait3A_500 = arith.constant 0 : i32
      %dma_wait3A_501 = arith.constant 0 : i32
      %dma_wait3A_502 = tpu.memref_slice %arg6[%dma_wait3A_498, %dma_wait3A_500, %dma_wait3A_501] : memref<7x128x128xf32, #tpu.memory_space<vmem>> -> memref<1x128x128xf32, #tpu.memory_space<vmem>>
      %dma_wait3A_503 = tpu.memref_squeeze %dma_wait3A_502 : memref<1x128x128xf32, #tpu.memory_space<vmem>> -> memref<128x128xf32, #tpu.memory_space<vmem>>
      %dma_wait3A_504 = arith.constant 0 : i32
      %dma_wait3A_505 = arith.constant 0 : i32
      %dma_wait3A_506 = tpu.memref_slice %arg3[%dma_wait3A_504, %dma_wait3A_505] : memref<100000x128xf32, #tpu.memory_space<hbm>> -> memref<128x128xf32, #tpu.memory_space<hbm>>
      %dma_wait3A_507 = tpu.memref_slice %arg7[%dma_wait3A_499] : memref<7x!tpu.dma_semaphore, #tpu.memory_space<semaphore_mem>> -> memref<1x!tpu.dma_semaphore, #tpu.memory_space<semaphore_mem>>
      %dma_wait3A_508 = tpu.memref_squeeze %dma_wait3A_507 : memref<1x!tpu.dma_semaphore, #tpu.memory_space<semaphore_mem>> -> memref<!tpu.dma_semaphore, #tpu.memory_space<semaphore_mem>>
      %dma_wait3A_509 = arith.constant 0 : i32
      %dma_wait3A_510 = arith.constant 0 : i32
      %dma_wait3A_511 = tpu.memref_slice %arg6[%dma_wait3A_498, %dma_wait3A_509, %dma_wait3A_510] : memref<7x128x128xf32, #tpu.memory_space<vmem>> -> memref<1x128x128xf32, #tpu.memory_space<vmem>>
      %dma_wait3A_512 = tpu.memref_squeeze %dma_wait3A_511 : memref<1x128x128xf32, #tpu.memory_space<vmem>> -> memref<128x128xf32, #tpu.memory_space<vmem>>
      %dma_wait3A_513 = arith.constant 0 : i32
      %dma_wait3A_514 = arith.constant 0 : i32
      %dma_wait3A_515 = tpu.memref_slice %arg3[%dma_wait3A_513, %dma_wait3A_514] : memref<100000x128xf32, #tpu.memory_space<hbm>> -> memref<128x128xf32, #tpu.memory_space<hbm>>
      tpu.wait_dma2 semaphore(%dma_wait3A_508 : memref<!tpu.dma_semaphore, #tpu.memory_space<semaphore_mem>>) src(%dma_wait3A_515 : memref<128x128xf32, #tpu.memory_space<hbm>>) dst(%dma_wait3A_512 : memref<128x128xf32, #tpu.memory_space<vmem>>)
      %add3A_516 = arith.constant 4 : i32
      %add3A_517 = arith.addi %mul3A_304, %add3A_516 : i32
      %dma_start3A_518 = arith.constant 4 : i32
      %dma_start3A_519 = arith.constant 4 : i32
      %dma_start3A_520 = arith.constant 0 : i32
      %dma_start3A_521 = arith.constant 0 : i32
      %dma_start3A_522 = tpu.memref_slice %arg6[%dma_start3A_518, %dma_start3A_520, %dma_start3A_521] : memref<7x128x128xf32, #tpu.memory_space<vmem>> -> memref<1x128x128xf32, #tpu.memory_space<vmem>>
      %dma_start3A_523 = tpu.memref_squeeze %dma_start3A_522 : memref<1x128x128xf32, #tpu.memory_space<vmem>> -> memref<128x128xf32, #tpu.memory_space<vmem>>
      %dma_start3A_524 = arith.constant 0 : i32
      %dma_start3A_525 = arith.constant 0 : i32
      %dma_start3A_526 = tpu.memref_slice %arg4[%add3A_517, %add3A, %dma_start3A_524, %dma_start3A_525] : memref<50x32x128x128xf32, #tpu.memory_space<hbm>> -> memref<1x1x128x128xf32, #tpu.memory_space<hbm>>
      %dma_start3A_527 = tpu.memref_squeeze %dma_start3A_526 : memref<1x1x128x128xf32, #tpu.memory_space<hbm>> -> memref<128x128xf32, #tpu.memory_space<hbm>>
      %dma_start3A_528 = tpu.memref_slice %arg8[%dma_start3A_519] : memref<7x!tpu.dma_semaphore, #tpu.memory_space<semaphore_mem>> -> memref<1x!tpu.dma_semaphore, #tpu.memory_space<semaphore_mem>>
      %dma_start3A_529 = tpu.memref_squeeze %dma_start3A_528 : memref<1x!tpu.dma_semaphore, #tpu.memory_space<semaphore_mem>> -> memref<!tpu.dma_semaphore, #tpu.memory_space<semaphore_mem>>
      %dma_start3A_530 = arith.constant 0 : i32
      %dma_start3A_531 = arith.constant 0 : i32
      %dma_start3A_532 = tpu.memref_slice %arg4[%add3A_517, %add3A, %dma_start3A_530, %dma_start3A_531] : memref<50x32x128x128xf32, #tpu.memory_space<hbm>> -> memref<1x1x128x128xf32, #tpu.memory_space<hbm>>
      %dma_start3A_533 = tpu.memref_squeeze %dma_start3A_532 : memref<1x1x128x128xf32, #tpu.memory_space<hbm>> -> memref<128x128xf32, #tpu.memory_space<hbm>>
      %dma_start3A_534 = arith.constant 0 : i32
      %dma_start3A_535 = arith.constant 0 : i32
      %dma_start3A_536 = tpu.memref_slice %arg6[%dma_start3A_518, %dma_start3A_534, %dma_start3A_535] : memref<7x128x128xf32, #tpu.memory_space<vmem>> -> memref<1x128x128xf32, #tpu.memory_space<vmem>>
      %dma_start3A_537 = tpu.memref_squeeze %dma_start3A_536 : memref<1x128x128xf32, #tpu.memory_space<vmem>> -> memref<128x128xf32, #tpu.memory_space<vmem>>
      tpu.enqueue_dma source(%dma_start3A_537 : memref<128x128xf32, #tpu.memory_space<vmem>>) target(%dma_start3A_533 : memref<128x128xf32, #tpu.memory_space<hbm>>) target_semaphore(%dma_start3A_529 : memref<!tpu.dma_semaphore, #tpu.memory_space<semaphore_mem>>)
      %add3A_538 = arith.constant 4 : i32
      %add3A_539 = arith.addi %mul3A_304, %add3A_538 : i32
      %add3A_540 = arith.constant 7 : i32
      %add3A_541 = arith.addi %add3A_539, %add3A_540 : i32
      %lt3A_542 = arith.constant 50 : i32
      %lt3A_543 = arith.cmpi slt, %add3A_541, %lt3A_542 : i32
      %convert_element_type3A_544 = arith.extui %lt3A_543 : i1 to i32
      %cond3A_545 = arith.constant 0 : i32
      %cond3A_546 = arith.cmpi ne, %convert_element_type3A_544, %cond3A_545 : i32
      scf.if %cond3A_546 {
        %dma_wait3A_645 = arith.constant 4 : i32
        %dma_wait3A_646 = arith.constant 0 : i32
        %dma_wait3A_647 = arith.constant 0 : i32
        %dma_wait3A_648 = arith.constant 4 : i32
        %dma_wait3A_649 = arith.constant 0 : i32
        %dma_wait3A_650 = arith.constant 0 : i32
        %dma_wait3A_651 = tpu.memref_slice %arg6[%dma_wait3A_645, %dma_wait3A_649, %dma_wait3A_650] : memref<7x128x128xf32, #tpu.memory_space<vmem>> -> memref<1x128x128xf32, #tpu.memory_space<vmem>>
        %dma_wait3A_652 = tpu.memref_squeeze %dma_wait3A_651 : memref<1x128x128xf32, #tpu.memory_space<vmem>> -> memref<128x128xf32, #tpu.memory_space<vmem>>
        %dma_wait3A_653 = arith.constant 0 : i32
        %dma_wait3A_654 = arith.constant 0 : i32
        %dma_wait3A_655 = tpu.memref_slice %arg4[%dma_wait3A_646, %dma_wait3A_647, %dma_wait3A_653, %dma_wait3A_654] : memref<50x32x128x128xf32, #tpu.memory_space<hbm>> -> memref<1x1x128x128xf32, #tpu.memory_space<hbm>>
        %dma_wait3A_656 = tpu.memref_squeeze %dma_wait3A_655 : memref<1x1x128x128xf32, #tpu.memory_space<hbm>> -> memref<128x128xf32, #tpu.memory_space<hbm>>
        %dma_wait3A_657 = tpu.memref_slice %arg8[%dma_wait3A_648] : memref<7x!tpu.dma_semaphore, #tpu.memory_space<semaphore_mem>> -> memref<1x!tpu.dma_semaphore, #tpu.memory_space<semaphore_mem>>
        %dma_wait3A_658 = tpu.memref_squeeze %dma_wait3A_657 : memref<1x!tpu.dma_semaphore, #tpu.memory_space<semaphore_mem>> -> memref<!tpu.dma_semaphore, #tpu.memory_space<semaphore_mem>>
        %dma_wait3A_659 = arith.constant 0 : i32
        %dma_wait3A_660 = arith.constant 0 : i32
        %dma_wait3A_661 = tpu.memref_slice %arg4[%dma_wait3A_646, %dma_wait3A_647, %dma_wait3A_659, %dma_wait3A_660] : memref<50x32x128x128xf32, #tpu.memory_space<hbm>> -> memref<1x1x128x128xf32, #tpu.memory_space<hbm>>
        %dma_wait3A_662 = tpu.memref_squeeze %dma_wait3A_661 : memref<1x1x128x128xf32, #tpu.memory_space<hbm>> -> memref<128x128xf32, #tpu.memory_space<hbm>>
        %dma_wait3A_663 = arith.constant 0 : i32
        %dma_wait3A_664 = arith.constant 0 : i32
        %dma_wait3A_665 = tpu.memref_slice %arg6[%dma_wait3A_645, %dma_wait3A_663, %dma_wait3A_664] : memref<7x128x128xf32, #tpu.memory_space<vmem>> -> memref<1x128x128xf32, #tpu.memory_space<vmem>>
        %dma_wait3A_666 = tpu.memref_squeeze %dma_wait3A_665 : memref<1x128x128xf32, #tpu.memory_space<vmem>> -> memref<128x128xf32, #tpu.memory_space<vmem>>
        tpu.wait_dma2 semaphore(%dma_wait3A_658 : memref<!tpu.dma_semaphore, #tpu.memory_space<semaphore_mem>>) src(%dma_wait3A_666 : memref<128x128xf32, #tpu.memory_space<vmem>>) dst(%dma_wait3A_662 : memref<128x128xf32, #tpu.memory_space<hbm>>)
        %dma_start3A_667 = arith.constant 4 : i32
        %dma_start3A_668 = arith.constant 4 : i32
        %dma_start3A_669 = arith.constant 0 : i32
        %dma_start3A_670 = arith.constant 0 : i32
        %dma_start3A_671 = tpu.memref_slice %arg6[%dma_start3A_667, %dma_start3A_669, %dma_start3A_670] : memref<7x128x128xf32, #tpu.memory_space<vmem>> -> memref<1x128x128xf32, #tpu.memory_space<vmem>>
        %dma_start3A_672 = tpu.memref_squeeze %dma_start3A_671 : memref<1x128x128xf32, #tpu.memory_space<vmem>> -> memref<128x128xf32, #tpu.memory_space<vmem>>
        %dma_start3A_673 = arith.constant 0 : i32
        %dma_start3A_674 = tpu.memref_slice %arg5[%add3A_541, %dma_start3A_673] : memref<50x128xi32, #tpu.memory_space<vmem>> -> memref<1x128xi32, #tpu.memory_space<vmem>>
        %dma_start3A_675 = tpu.memref_squeeze %dma_start3A_674 : memref<1x128xi32, #tpu.memory_space<vmem>> -> memref<128xi32, #tpu.memory_space<vmem>>
        %dma_start3A_676 = arith.constant 0 : i32
        %dma_start3A_677 = arith.constant 0 : i32
        %dma_start3A_678 = tpu.memref_slice %arg3[%dma_start3A_676, %dma_start3A_677] : memref<100000x128xf32, #tpu.memory_space<hbm>> -> memref<100000x128xf32, #tpu.memory_space<hbm>>
        %dma_start3A_679 = tpu.memref_slice %arg7[%dma_start3A_668] : memref<7x!tpu.dma_semaphore, #tpu.memory_space<semaphore_mem>> -> memref<1x!tpu.dma_semaphore, #tpu.memory_space<semaphore_mem>>
        %dma_start3A_680 = tpu.memref_squeeze %dma_start3A_679 : memref<1x!tpu.dma_semaphore, #tpu.memory_space<semaphore_mem>> -> memref<!tpu.dma_semaphore, #tpu.memory_space<semaphore_mem>>
        tpu.enqueue_indirect_dma source(%dma_start3A_678 : memref<100000x128xf32, #tpu.memory_space<hbm>>) target(%dma_start3A_672 : memref<128x128xf32, #tpu.memory_space<vmem>>) offsets(%dma_start3A_675 : memref<128xi32, #tpu.memory_space<vmem>>) semaphore(%dma_start3A_680 : memref<!tpu.dma_semaphore, #tpu.memory_space<semaphore_mem>>)
      } else {
      }
      %dma_wait3A_547 = arith.constant 5 : i32
      %dma_wait3A_548 = arith.constant 5 : i32
      %dma_wait3A_549 = arith.constant 0 : i32
      %dma_wait3A_550 = arith.constant 0 : i32
      %dma_wait3A_551 = tpu.memref_slice %arg6[%dma_wait3A_547, %dma_wait3A_549, %dma_wait3A_550] : memref<7x128x128xf32, #tpu.memory_space<vmem>> -> memref<1x128x128xf32, #tpu.memory_space<vmem>>
      %dma_wait3A_552 = tpu.memref_squeeze %dma_wait3A_551 : memref<1x128x128xf32, #tpu.memory_space<vmem>> -> memref<128x128xf32, #tpu.memory_space<vmem>>
      %dma_wait3A_553 = arith.constant 0 : i32
      %dma_wait3A_554 = arith.constant 0 : i32
      %dma_wait3A_555 = tpu.memref_slice %arg3[%dma_wait3A_553, %dma_wait3A_554] : memref<100000x128xf32, #tpu.memory_space<hbm>> -> memref<128x128xf32, #tpu.memory_space<hbm>>
      %dma_wait3A_556 = tpu.memref_slice %arg7[%dma_wait3A_548] : memref<7x!tpu.dma_semaphore, #tpu.memory_space<semaphore_mem>> -> memref<1x!tpu.dma_semaphore, #tpu.memory_space<semaphore_mem>>
      %dma_wait3A_557 = tpu.memref_squeeze %dma_wait3A_556 : memref<1x!tpu.dma_semaphore, #tpu.memory_space<semaphore_mem>> -> memref<!tpu.dma_semaphore, #tpu.memory_space<semaphore_mem>>
      %dma_wait3A_558 = arith.constant 0 : i32
      %dma_wait3A_559 = arith.constant 0 : i32
      %dma_wait3A_560 = tpu.memref_slice %arg6[%dma_wait3A_547, %dma_wait3A_558, %dma_wait3A_559] : memref<7x128x128xf32, #tpu.memory_space<vmem>> -> memref<1x128x128xf32, #tpu.memory_space<vmem>>
      %dma_wait3A_561 = tpu.memref_squeeze %dma_wait3A_560 : memref<1x128x128xf32, #tpu.memory_space<vmem>> -> memref<128x128xf32, #tpu.memory_space<vmem>>
      %dma_wait3A_562 = arith.constant 0 : i32
      %dma_wait3A_563 = arith.constant 0 : i32
      %dma_wait3A_564 = tpu.memref_slice %arg3[%dma_wait3A_562, %dma_wait3A_563] : memref<100000x128xf32, #tpu.memory_space<hbm>> -> memref<128x128xf32, #tpu.memory_space<hbm>>
      tpu.wait_dma2 semaphore(%dma_wait3A_557 : memref<!tpu.dma_semaphore, #tpu.memory_space<semaphore_mem>>) src(%dma_wait3A_564 : memref<128x128xf32, #tpu.memory_space<hbm>>) dst(%dma_wait3A_561 : memref<128x128xf32, #tpu.memory_space<vmem>>)
      %add3A_565 = arith.constant 5 : i32
      %add3A_566 = arith.addi %mul3A_304, %add3A_565 : i32
      %dma_start3A_567 = arith.constant 5 : i32
      %dma_start3A_568 = arith.constant 5 : i32
      %dma_start3A_569 = arith.constant 0 : i32
      %dma_start3A_570 = arith.constant 0 : i32
      %dma_start3A_571 = tpu.memref_slice %arg6[%dma_start3A_567, %dma_start3A_569, %dma_start3A_570] : memref<7x128x128xf32, #tpu.memory_space<vmem>> -> memref<1x128x128xf32, #tpu.memory_space<vmem>>
      %dma_start3A_572 = tpu.memref_squeeze %dma_start3A_571 : memref<1x128x128xf32, #tpu.memory_space<vmem>> -> memref<128x128xf32, #tpu.memory_space<vmem>>
      %dma_start3A_573 = arith.constant 0 : i32
      %dma_start3A_574 = arith.constant 0 : i32
      %dma_start3A_575 = tpu.memref_slice %arg4[%add3A_566, %add3A, %dma_start3A_573, %dma_start3A_574] : memref<50x32x128x128xf32, #tpu.memory_space<hbm>> -> memref<1x1x128x128xf32, #tpu.memory_space<hbm>>
      %dma_start3A_576 = tpu.memref_squeeze %dma_start3A_575 : memref<1x1x128x128xf32, #tpu.memory_space<hbm>> -> memref<128x128xf32, #tpu.memory_space<hbm>>
      %dma_start3A_577 = tpu.memref_slice %arg8[%dma_start3A_568] : memref<7x!tpu.dma_semaphore, #tpu.memory_space<semaphore_mem>> -> memref<1x!tpu.dma_semaphore, #tpu.memory_space<semaphore_mem>>
      %dma_start3A_578 = tpu.memref_squeeze %dma_start3A_577 : memref<1x!tpu.dma_semaphore, #tpu.memory_space<semaphore_mem>> -> memref<!tpu.dma_semaphore, #tpu.memory_space<semaphore_mem>>
      %dma_start3A_579 = arith.constant 0 : i32
      %dma_start3A_580 = arith.constant 0 : i32
      %dma_start3A_581 = tpu.memref_slice %arg4[%add3A_566, %add3A, %dma_start3A_579, %dma_start3A_580] : memref<50x32x128x128xf32, #tpu.memory_space<hbm>> -> memref<1x1x128x128xf32, #tpu.memory_space<hbm>>
      %dma_start3A_582 = tpu.memref_squeeze %dma_start3A_581 : memref<1x1x128x128xf32, #tpu.memory_space<hbm>> -> memref<128x128xf32, #tpu.memory_space<hbm>>
      %dma_start3A_583 = arith.constant 0 : i32
      %dma_start3A_584 = arith.constant 0 : i32
      %dma_start3A_585 = tpu.memref_slice %arg6[%dma_start3A_567, %dma_start3A_583, %dma_start3A_584] : memref<7x128x128xf32, #tpu.memory_space<vmem>> -> memref<1x128x128xf32, #tpu.memory_space<vmem>>
      %dma_start3A_586 = tpu.memref_squeeze %dma_start3A_585 : memref<1x128x128xf32, #tpu.memory_space<vmem>> -> memref<128x128xf32, #tpu.memory_space<vmem>>
      tpu.enqueue_dma source(%dma_start3A_586 : memref<128x128xf32, #tpu.memory_space<vmem>>) target(%dma_start3A_582 : memref<128x128xf32, #tpu.memory_space<hbm>>) target_semaphore(%dma_start3A_578 : memref<!tpu.dma_semaphore, #tpu.memory_space<semaphore_mem>>)
      %add3A_587 = arith.constant 5 : i32
      %add3A_588 = arith.addi %mul3A_304, %add3A_587 : i32
      %add3A_589 = arith.constant 7 : i32
      %add3A_590 = arith.addi %add3A_588, %add3A_589 : i32
      %lt3A_591 = arith.constant 50 : i32
      %lt3A_592 = arith.cmpi slt, %add3A_590, %lt3A_591 : i32
      %convert_element_type3A_593 = arith.extui %lt3A_592 : i1 to i32
      %cond3A_594 = arith.constant 0 : i32
      %cond3A_595 = arith.cmpi ne, %convert_element_type3A_593, %cond3A_594 : i32
      scf.if %cond3A_595 {
        %dma_wait3A_645 = arith.constant 5 : i32
        %dma_wait3A_646 = arith.constant 0 : i32
        %dma_wait3A_647 = arith.constant 0 : i32
        %dma_wait3A_648 = arith.constant 5 : i32
        %dma_wait3A_649 = arith.constant 0 : i32
        %dma_wait3A_650 = arith.constant 0 : i32
        %dma_wait3A_651 = tpu.memref_slice %arg6[%dma_wait3A_645, %dma_wait3A_649, %dma_wait3A_650] : memref<7x128x128xf32, #tpu.memory_space<vmem>> -> memref<1x128x128xf32, #tpu.memory_space<vmem>>
        %dma_wait3A_652 = tpu.memref_squeeze %dma_wait3A_651 : memref<1x128x128xf32, #tpu.memory_space<vmem>> -> memref<128x128xf32, #tpu.memory_space<vmem>>
        %dma_wait3A_653 = arith.constant 0 : i32
        %dma_wait3A_654 = arith.constant 0 : i32
        %dma_wait3A_655 = tpu.memref_slice %arg4[%dma_wait3A_646, %dma_wait3A_647, %dma_wait3A_653, %dma_wait3A_654] : memref<50x32x128x128xf32, #tpu.memory_space<hbm>> -> memref<1x1x128x128xf32, #tpu.memory_space<hbm>>
        %dma_wait3A_656 = tpu.memref_squeeze %dma_wait3A_655 : memref<1x1x128x128xf32, #tpu.memory_space<hbm>> -> memref<128x128xf32, #tpu.memory_space<hbm>>
        %dma_wait3A_657 = tpu.memref_slice %arg8[%dma_wait3A_648] : memref<7x!tpu.dma_semaphore, #tpu.memory_space<semaphore_mem>> -> memref<1x!tpu.dma_semaphore, #tpu.memory_space<semaphore_mem>>
        %dma_wait3A_658 = tpu.memref_squeeze %dma_wait3A_657 : memref<1x!tpu.dma_semaphore, #tpu.memory_space<semaphore_mem>> -> memref<!tpu.dma_semaphore, #tpu.memory_space<semaphore_mem>>
        %dma_wait3A_659 = arith.constant 0 : i32
        %dma_wait3A_660 = arith.constant 0 : i32
        %dma_wait3A_661 = tpu.memref_slice %arg4[%dma_wait3A_646, %dma_wait3A_647, %dma_wait3A_659, %dma_wait3A_660] : memref<50x32x128x128xf32, #tpu.memory_space<hbm>> -> memref<1x1x128x128xf32, #tpu.memory_space<hbm>>
        %dma_wait3A_662 = tpu.memref_squeeze %dma_wait3A_661 : memref<1x1x128x128xf32, #tpu.memory_space<hbm>> -> memref<128x128xf32, #tpu.memory_space<hbm>>
        %dma_wait3A_663 = arith.constant 0 : i32
        %dma_wait3A_664 = arith.constant 0 : i32
        %dma_wait3A_665 = tpu.memref_slice %arg6[%dma_wait3A_645, %dma_wait3A_663, %dma_wait3A_664] : memref<7x128x128xf32, #tpu.memory_space<vmem>> -> memref<1x128x128xf32, #tpu.memory_space<vmem>>
        %dma_wait3A_666 = tpu.memref_squeeze %dma_wait3A_665 : memref<1x128x128xf32, #tpu.memory_space<vmem>> -> memref<128x128xf32, #tpu.memory_space<vmem>>
        tpu.wait_dma2 semaphore(%dma_wait3A_658 : memref<!tpu.dma_semaphore, #tpu.memory_space<semaphore_mem>>) src(%dma_wait3A_666 : memref<128x128xf32, #tpu.memory_space<vmem>>) dst(%dma_wait3A_662 : memref<128x128xf32, #tpu.memory_space<hbm>>)
        %dma_start3A_667 = arith.constant 5 : i32
        %dma_start3A_668 = arith.constant 5 : i32
        %dma_start3A_669 = arith.constant 0 : i32
        %dma_start3A_670 = arith.constant 0 : i32
        %dma_start3A_671 = tpu.memref_slice %arg6[%dma_start3A_667, %dma_start3A_669, %dma_start3A_670] : memref<7x128x128xf32, #tpu.memory_space<vmem>> -> memref<1x128x128xf32, #tpu.memory_space<vmem>>
        %dma_start3A_672 = tpu.memref_squeeze %dma_start3A_671 : memref<1x128x128xf32, #tpu.memory_space<vmem>> -> memref<128x128xf32, #tpu.memory_space<vmem>>
        %dma_start3A_673 = arith.constant 0 : i32
        %dma_start3A_674 = tpu.memref_slice %arg5[%add3A_590, %dma_start3A_673] : memref<50x128xi32, #tpu.memory_space<vmem>> -> memref<1x128xi32, #tpu.memory_space<vmem>>
        %dma_start3A_675 = tpu.memref_squeeze %dma_start3A_674 : memref<1x128xi32, #tpu.memory_space<vmem>> -> memref<128xi32, #tpu.memory_space<vmem>>
        %dma_start3A_676 = arith.constant 0 : i32
        %dma_start3A_677 = arith.constant 0 : i32
        %dma_start3A_678 = tpu.memref_slice %arg3[%dma_start3A_676, %dma_start3A_677] : memref<100000x128xf32, #tpu.memory_space<hbm>> -> memref<100000x128xf32, #tpu.memory_space<hbm>>
        %dma_start3A_679 = tpu.memref_slice %arg7[%dma_start3A_668] : memref<7x!tpu.dma_semaphore, #tpu.memory_space<semaphore_mem>> -> memref<1x!tpu.dma_semaphore, #tpu.memory_space<semaphore_mem>>
        %dma_start3A_680 = tpu.memref_squeeze %dma_start3A_679 : memref<1x!tpu.dma_semaphore, #tpu.memory_space<semaphore_mem>> -> memref<!tpu.dma_semaphore, #tpu.memory_space<semaphore_mem>>
        tpu.enqueue_indirect_dma source(%dma_start3A_678 : memref<100000x128xf32, #tpu.memory_space<hbm>>) target(%dma_start3A_672 : memref<128x128xf32, #tpu.memory_space<vmem>>) offsets(%dma_start3A_675 : memref<128xi32, #tpu.memory_space<vmem>>) semaphore(%dma_start3A_680 : memref<!tpu.dma_semaphore, #tpu.memory_space<semaphore_mem>>)
      } else {
      }
      %dma_wait3A_596 = arith.constant 6 : i32
      %dma_wait3A_597 = arith.constant 6 : i32
      %dma_wait3A_598 = arith.constant 0 : i32
      %dma_wait3A_599 = arith.constant 0 : i32
      %dma_wait3A_600 = tpu.memref_slice %arg6[%dma_wait3A_596, %dma_wait3A_598, %dma_wait3A_599] : memref<7x128x128xf32, #tpu.memory_space<vmem>> -> memref<1x128x128xf32, #tpu.memory_space<vmem>>
      %dma_wait3A_601 = tpu.memref_squeeze %dma_wait3A_600 : memref<1x128x128xf32, #tpu.memory_space<vmem>> -> memref<128x128xf32, #tpu.memory_space<vmem>>
      %dma_wait3A_602 = arith.constant 0 : i32
      %dma_wait3A_603 = arith.constant 0 : i32
      %dma_wait3A_604 = tpu.memref_slice %arg3[%dma_wait3A_602, %dma_wait3A_603] : memref<100000x128xf32, #tpu.memory_space<hbm>> -> memref<128x128xf32, #tpu.memory_space<hbm>>
      %dma_wait3A_605 = tpu.memref_slice %arg7[%dma_wait3A_597] : memref<7x!tpu.dma_semaphore, #tpu.memory_space<semaphore_mem>> -> memref<1x!tpu.dma_semaphore, #tpu.memory_space<semaphore_mem>>
      %dma_wait3A_606 = tpu.memref_squeeze %dma_wait3A_605 : memref<1x!tpu.dma_semaphore, #tpu.memory_space<semaphore_mem>> -> memref<!tpu.dma_semaphore, #tpu.memory_space<semaphore_mem>>
      %dma_wait3A_607 = arith.constant 0 : i32
      %dma_wait3A_608 = arith.constant 0 : i32
      %dma_wait3A_609 = tpu.memref_slice %arg6[%dma_wait3A_596, %dma_wait3A_607, %dma_wait3A_608] : memref<7x128x128xf32, #tpu.memory_space<vmem>> -> memref<1x128x128xf32, #tpu.memory_space<vmem>>
      %dma_wait3A_610 = tpu.memref_squeeze %dma_wait3A_609 : memref<1x128x128xf32, #tpu.memory_space<vmem>> -> memref<128x128xf32, #tpu.memory_space<vmem>>
      %dma_wait3A_611 = arith.constant 0 : i32
      %dma_wait3A_612 = arith.constant 0 : i32
      %dma_wait3A_613 = tpu.memref_slice %arg3[%dma_wait3A_611, %dma_wait3A_612] : memref<100000x128xf32, #tpu.memory_space<hbm>> -> memref<128x128xf32, #tpu.memory_space<hbm>>
      tpu.wait_dma2 semaphore(%dma_wait3A_606 : memref<!tpu.dma_semaphore, #tpu.memory_space<semaphore_mem>>) src(%dma_wait3A_613 : memref<128x128xf32, #tpu.memory_space<hbm>>) dst(%dma_wait3A_610 : memref<128x128xf32, #tpu.memory_space<vmem>>)
      %add3A_614 = arith.constant 6 : i32
      %add3A_615 = arith.addi %mul3A_304, %add3A_614 : i32
      %dma_start3A_616 = arith.constant 6 : i32
      %dma_start3A_617 = arith.constant 6 : i32
      %dma_start3A_618 = arith.constant 0 : i32
      %dma_start3A_619 = arith.constant 0 : i32
      %dma_start3A_620 = tpu.memref_slice %arg6[%dma_start3A_616, %dma_start3A_618, %dma_start3A_619] : memref<7x128x128xf32, #tpu.memory_space<vmem>> -> memref<1x128x128xf32, #tpu.memory_space<vmem>>
      %dma_start3A_621 = tpu.memref_squeeze %dma_start3A_620 : memref<1x128x128xf32, #tpu.memory_space<vmem>> -> memref<128x128xf32, #tpu.memory_space<vmem>>
      %dma_start3A_622 = arith.constant 0 : i32
      %dma_start3A_623 = arith.constant 0 : i32
      %dma_start3A_624 = tpu.memref_slice %arg4[%add3A_615, %add3A, %dma_start3A_622, %dma_start3A_623] : memref<50x32x128x128xf32, #tpu.memory_space<hbm>> -> memref<1x1x128x128xf32, #tpu.memory_space<hbm>>
      %dma_start3A_625 = tpu.memref_squeeze %dma_start3A_624 : memref<1x1x128x128xf32, #tpu.memory_space<hbm>> -> memref<128x128xf32, #tpu.memory_space<hbm>>
      %dma_start3A_626 = tpu.memref_slice %arg8[%dma_start3A_617] : memref<7x!tpu.dma_semaphore, #tpu.memory_space<semaphore_mem>> -> memref<1x!tpu.dma_semaphore, #tpu.memory_space<semaphore_mem>>
      %dma_start3A_627 = tpu.memref_squeeze %dma_start3A_626 : memref<1x!tpu.dma_semaphore, #tpu.memory_space<semaphore_mem>> -> memref<!tpu.dma_semaphore, #tpu.memory_space<semaphore_mem>>
      %dma_start3A_628 = arith.constant 0 : i32
      %dma_start3A_629 = arith.constant 0 : i32
      %dma_start3A_630 = tpu.memref_slice %arg4[%add3A_615, %add3A, %dma_start3A_628, %dma_start3A_629] : memref<50x32x128x128xf32, #tpu.memory_space<hbm>> -> memref<1x1x128x128xf32, #tpu.memory_space<hbm>>
      %dma_start3A_631 = tpu.memref_squeeze %dma_start3A_630 : memref<1x1x128x128xf32, #tpu.memory_space<hbm>> -> memref<128x128xf32, #tpu.memory_space<hbm>>
      %dma_start3A_632 = arith.constant 0 : i32
      %dma_start3A_633 = arith.constant 0 : i32
      %dma_start3A_634 = tpu.memref_slice %arg6[%dma_start3A_616, %dma_start3A_632, %dma_start3A_633] : memref<7x128x128xf32, #tpu.memory_space<vmem>> -> memref<1x128x128xf32, #tpu.memory_space<vmem>>
      %dma_start3A_635 = tpu.memref_squeeze %dma_start3A_634 : memref<1x128x128xf32, #tpu.memory_space<vmem>> -> memref<128x128xf32, #tpu.memory_space<vmem>>
      tpu.enqueue_dma source(%dma_start3A_635 : memref<128x128xf32, #tpu.memory_space<vmem>>) target(%dma_start3A_631 : memref<128x128xf32, #tpu.memory_space<hbm>>) target_semaphore(%dma_start3A_627 : memref<!tpu.dma_semaphore, #tpu.memory_space<semaphore_mem>>)
      %add3A_636 = arith.constant 6 : i32
      %add3A_637 = arith.addi %mul3A_304, %add3A_636 : i32
      %add3A_638 = arith.constant 7 : i32
      %add3A_639 = arith.addi %add3A_637, %add3A_638 : i32
      %lt3A_640 = arith.constant 50 : i32
      %lt3A_641 = arith.cmpi slt, %add3A_639, %lt3A_640 : i32
      %convert_element_type3A_642 = arith.extui %lt3A_641 : i1 to i32
      %cond3A_643 = arith.constant 0 : i32
      %cond3A_644 = arith.cmpi ne, %convert_element_type3A_642, %cond3A_643 : i32
      scf.if %cond3A_644 {
        %dma_wait3A_645 = arith.constant 6 : i32
        %dma_wait3A_646 = arith.constant 0 : i32
        %dma_wait3A_647 = arith.constant 0 : i32
        %dma_wait3A_648 = arith.constant 6 : i32
        %dma_wait3A_649 = arith.constant 0 : i32
        %dma_wait3A_650 = arith.constant 0 : i32
        %dma_wait3A_651 = tpu.memref_slice %arg6[%dma_wait3A_645, %dma_wait3A_649, %dma_wait3A_650] : memref<7x128x128xf32, #tpu.memory_space<vmem>> -> memref<1x128x128xf32, #tpu.memory_space<vmem>>
        %dma_wait3A_652 = tpu.memref_squeeze %dma_wait3A_651 : memref<1x128x128xf32, #tpu.memory_space<vmem>> -> memref<128x128xf32, #tpu.memory_space<vmem>>
        %dma_wait3A_653 = arith.constant 0 : i32
        %dma_wait3A_654 = arith.constant 0 : i32
        %dma_wait3A_655 = tpu.memref_slice %arg4[%dma_wait3A_646, %dma_wait3A_647, %dma_wait3A_653, %dma_wait3A_654] : memref<50x32x128x128xf32, #tpu.memory_space<hbm>> -> memref<1x1x128x128xf32, #tpu.memory_space<hbm>>
        %dma_wait3A_656 = tpu.memref_squeeze %dma_wait3A_655 : memref<1x1x128x128xf32, #tpu.memory_space<hbm>> -> memref<128x128xf32, #tpu.memory_space<hbm>>
        %dma_wait3A_657 = tpu.memref_slice %arg8[%dma_wait3A_648] : memref<7x!tpu.dma_semaphore, #tpu.memory_space<semaphore_mem>> -> memref<1x!tpu.dma_semaphore, #tpu.memory_space<semaphore_mem>>
        %dma_wait3A_658 = tpu.memref_squeeze %dma_wait3A_657 : memref<1x!tpu.dma_semaphore, #tpu.memory_space<semaphore_mem>> -> memref<!tpu.dma_semaphore, #tpu.memory_space<semaphore_mem>>
        %dma_wait3A_659 = arith.constant 0 : i32
        %dma_wait3A_660 = arith.constant 0 : i32
        %dma_wait3A_661 = tpu.memref_slice %arg4[%dma_wait3A_646, %dma_wait3A_647, %dma_wait3A_659, %dma_wait3A_660] : memref<50x32x128x128xf32, #tpu.memory_space<hbm>> -> memref<1x1x128x128xf32, #tpu.memory_space<hbm>>
        %dma_wait3A_662 = tpu.memref_squeeze %dma_wait3A_661 : memref<1x1x128x128xf32, #tpu.memory_space<hbm>> -> memref<128x128xf32, #tpu.memory_space<hbm>>
        %dma_wait3A_663 = arith.constant 0 : i32
        %dma_wait3A_664 = arith.constant 0 : i32
        %dma_wait3A_665 = tpu.memref_slice %arg6[%dma_wait3A_645, %dma_wait3A_663, %dma_wait3A_664] : memref<7x128x128xf32, #tpu.memory_space<vmem>> -> memref<1x128x128xf32, #tpu.memory_space<vmem>>
        %dma_wait3A_666 = tpu.memref_squeeze %dma_wait3A_665 : memref<1x128x128xf32, #tpu.memory_space<vmem>> -> memref<128x128xf32, #tpu.memory_space<vmem>>
        tpu.wait_dma2 semaphore(%dma_wait3A_658 : memref<!tpu.dma_semaphore, #tpu.memory_space<semaphore_mem>>) src(%dma_wait3A_666 : memref<128x128xf32, #tpu.memory_space<vmem>>) dst(%dma_wait3A_662 : memref<128x128xf32, #tpu.memory_space<hbm>>)
        %dma_start3A_667 = arith.constant 6 : i32
        %dma_start3A_668 = arith.constant 6 : i32
        %dma_start3A_669 = arith.constant 0 : i32
        %dma_start3A_670 = arith.constant 0 : i32
        %dma_start3A_671 = tpu.memref_slice %arg6[%dma_start3A_667, %dma_start3A_669, %dma_start3A_670] : memref<7x128x128xf32, #tpu.memory_space<vmem>> -> memref<1x128x128xf32, #tpu.memory_space<vmem>>
        %dma_start3A_672 = tpu.memref_squeeze %dma_start3A_671 : memref<1x128x128xf32, #tpu.memory_space<vmem>> -> memref<128x128xf32, #tpu.memory_space<vmem>>
        %dma_start3A_673 = arith.constant 0 : i32
        %dma_start3A_674 = tpu.memref_slice %arg5[%add3A_639, %dma_start3A_673] : memref<50x128xi32, #tpu.memory_space<vmem>> -> memref<1x128xi32, #tpu.memory_space<vmem>>
        %dma_start3A_675 = tpu.memref_squeeze %dma_start3A_674 : memref<1x128xi32, #tpu.memory_space<vmem>> -> memref<128xi32, #tpu.memory_space<vmem>>
        %dma_start3A_676 = arith.constant 0 : i32
        %dma_start3A_677 = arith.constant 0 : i32
        %dma_start3A_678 = tpu.memref_slice %arg3[%dma_start3A_676, %dma_start3A_677] : memref<100000x128xf32, #tpu.memory_space<hbm>> -> memref<100000x128xf32, #tpu.memory_space<hbm>>
        %dma_start3A_679 = tpu.memref_slice %arg7[%dma_start3A_668] : memref<7x!tpu.dma_semaphore, #tpu.memory_space<semaphore_mem>> -> memref<1x!tpu.dma_semaphore, #tpu.memory_space<semaphore_mem>>
        %dma_start3A_680 = tpu.memref_squeeze %dma_start3A_679 : memref<1x!tpu.dma_semaphore, #tpu.memory_space<semaphore_mem>> -> memref<!tpu.dma_semaphore, #tpu.memory_space<semaphore_mem>>
        tpu.enqueue_indirect_dma source(%dma_start3A_678 : memref<100000x128xf32, #tpu.memory_space<hbm>>) target(%dma_start3A_672 : memref<128x128xf32, #tpu.memory_space<vmem>>) offsets(%dma_start3A_675 : memref<128xi32, #tpu.memory_space<vmem>>) semaphore(%dma_start3A_680 : memref<!tpu.dma_semaphore, #tpu.memory_space<semaphore_mem>>)
      } else {
      }
    }
    %scan3A_109 = arith.constant 7 : i32
    %dma_wait3A = arith.constant 0 : i32
    %dma_wait3A_110 = arith.constant 0 : i32
    %dma_wait3A_111 = arith.constant 0 : i32
    %dma_wait3A_112 = arith.constant 0 : i32
    %dma_wait3A_113 = tpu.memref_slice %arg6[%dma_wait3A, %dma_wait3A_111, %dma_wait3A_112] : memref<7x128x128xf32, #tpu.memory_space<vmem>> -> memref<1x128x128xf32, #tpu.memory_space<vmem>>
    %dma_wait3A_114 = tpu.memref_squeeze %dma_wait3A_113 : memref<1x128x128xf32, #tpu.memory_space<vmem>> -> memref<128x128xf32, #tpu.memory_space<vmem>>
    %dma_wait3A_115 = arith.constant 0 : i32
    %dma_wait3A_116 = arith.constant 0 : i32
    %dma_wait3A_117 = tpu.memref_slice %arg3[%dma_wait3A_115, %dma_wait3A_116] : memref<100000x128xf32, #tpu.memory_space<hbm>> -> memref<128x128xf32, #tpu.memory_space<hbm>>
    %dma_wait3A_118 = tpu.memref_slice %arg7[%dma_wait3A_110] : memref<7x!tpu.dma_semaphore, #tpu.memory_space<semaphore_mem>> -> memref<1x!tpu.dma_semaphore, #tpu.memory_space<semaphore_mem>>
    %dma_wait3A_119 = tpu.memref_squeeze %dma_wait3A_118 : memref<1x!tpu.dma_semaphore, #tpu.memory_space<semaphore_mem>> -> memref<!tpu.dma_semaphore, #tpu.memory_space<semaphore_mem>>
    %dma_wait3A_120 = arith.constant 0 : i32
    %dma_wait3A_121 = arith.constant 0 : i32
    %dma_wait3A_122 = tpu.memref_slice %arg6[%dma_wait3A, %dma_wait3A_120, %dma_wait3A_121] : memref<7x128x128xf32, #tpu.memory_space<vmem>> -> memref<1x128x128xf32, #tpu.memory_space<vmem>>
    %dma_wait3A_123 = tpu.memref_squeeze %dma_wait3A_122 : memref<1x128x128xf32, #tpu.memory_space<vmem>> -> memref<128x128xf32, #tpu.memory_space<vmem>>
    %dma_wait3A_124 = arith.constant 0 : i32
    %dma_wait3A_125 = arith.constant 0 : i32
    %dma_wait3A_126 = tpu.memref_slice %arg3[%dma_wait3A_124, %dma_wait3A_125] : memref<100000x128xf32, #tpu.memory_space<hbm>> -> memref<128x128xf32, #tpu.memory_space<hbm>>
    tpu.wait_dma2 semaphore(%dma_wait3A_119 : memref<!tpu.dma_semaphore, #tpu.memory_space<semaphore_mem>>) src(%dma_wait3A_126 : memref<128x128xf32, #tpu.memory_space<hbm>>) dst(%dma_wait3A_123 : memref<128x128xf32, #tpu.memory_space<vmem>>)
    %dma_start3A_127 = arith.constant 0 : i32
    %dma_start3A_128 = arith.constant 49 : i32
    %dma_start3A_129 = arith.constant 0 : i32
    %dma_start3A_130 = arith.constant 0 : i32
    %dma_start3A_131 = arith.constant 0 : i32
    %dma_start3A_132 = tpu.memref_slice %arg6[%dma_start3A_127, %dma_start3A_130, %dma_start3A_131] : memref<7x128x128xf32, #tpu.memory_space<vmem>> -> memref<1x128x128xf32, #tpu.memory_space<vmem>>
    %dma_start3A_133 = tpu.memref_squeeze %dma_start3A_132 : memref<1x128x128xf32, #tpu.memory_space<vmem>> -> memref<128x128xf32, #tpu.memory_space<vmem>>
    %dma_start3A_134 = arith.constant 0 : i32
    %dma_start3A_135 = arith.constant 0 : i32
    %dma_start3A_136 = tpu.memref_slice %arg4[%dma_start3A_128, %add3A, %dma_start3A_134, %dma_start3A_135] : memref<50x32x128x128xf32, #tpu.memory_space<hbm>> -> memref<1x1x128x128xf32, #tpu.memory_space<hbm>>
    %dma_start3A_137 = tpu.memref_squeeze %dma_start3A_136 : memref<1x1x128x128xf32, #tpu.memory_space<hbm>> -> memref<128x128xf32, #tpu.memory_space<hbm>>
    %dma_start3A_138 = tpu.memref_slice %arg8[%dma_start3A_129] : memref<7x!tpu.dma_semaphore, #tpu.memory_space<semaphore_mem>> -> memref<1x!tpu.dma_semaphore, #tpu.memory_space<semaphore_mem>>
    %dma_start3A_139 = tpu.memref_squeeze %dma_start3A_138 : memref<1x!tpu.dma_semaphore, #tpu.memory_space<semaphore_mem>> -> memref<!tpu.dma_semaphore, #tpu.memory_space<semaphore_mem>>
    %dma_start3A_140 = arith.constant 0 : i32
    %dma_start3A_141 = arith.constant 0 : i32
    %dma_start3A_142 = tpu.memref_slice %arg4[%dma_start3A_128, %add3A, %dma_start3A_140, %dma_start3A_141] : memref<50x32x128x128xf32, #tpu.memory_space<hbm>> -> memref<1x1x128x128xf32, #tpu.memory_space<hbm>>
    %dma_start3A_143 = tpu.memref_squeeze %dma_start3A_142 : memref<1x1x128x128xf32, #tpu.memory_space<hbm>> -> memref<128x128xf32, #tpu.memory_space<hbm>>
    %dma_start3A_144 = arith.constant 0 : i32
    %dma_start3A_145 = arith.constant 0 : i32
    %dma_start3A_146 = tpu.memref_slice %arg6[%dma_start3A_127, %dma_start3A_144, %dma_start3A_145] : memref<7x128x128xf32, #tpu.memory_space<vmem>> -> memref<1x128x128xf32, #tpu.memory_space<vmem>>
    %dma_start3A_147 = tpu.memref_squeeze %dma_start3A_146 : memref<1x128x128xf32, #tpu.memory_space<vmem>> -> memref<128x128xf32, #tpu.memory_space<vmem>>
    tpu.enqueue_dma source(%dma_start3A_147 : memref<128x128xf32, #tpu.memory_space<vmem>>) target(%dma_start3A_143 : memref<128x128xf32, #tpu.memory_space<hbm>>) target_semaphore(%dma_start3A_139 : memref<!tpu.dma_semaphore, #tpu.memory_space<semaphore_mem>>)
    %dma_wait3A_148 = arith.constant 0 : i32
    %dma_wait3A_149 = arith.constant 0 : i32
    %dma_wait3A_150 = arith.constant 0 : i32
    %dma_wait3A_151 = arith.constant 0 : i32
    %dma_wait3A_152 = arith.constant 0 : i32
    %dma_wait3A_153 = arith.constant 0 : i32
    %dma_wait3A_154 = tpu.memref_slice %arg6[%dma_wait3A_148, %dma_wait3A_152, %dma_wait3A_153] : memref<7x128x128xf32, #tpu.memory_space<vmem>> -> memref<1x128x128xf32, #tpu.memory_space<vmem>>
    %dma_wait3A_155 = tpu.memref_squeeze %dma_wait3A_154 : memref<1x128x128xf32, #tpu.memory_space<vmem>> -> memref<128x128xf32, #tpu.memory_space<vmem>>
    %dma_wait3A_156 = arith.constant 0 : i32
    %dma_wait3A_157 = arith.constant 0 : i32
    %dma_wait3A_158 = tpu.memref_slice %arg4[%dma_wait3A_149, %dma_wait3A_150, %dma_wait3A_156, %dma_wait3A_157] : memref<50x32x128x128xf32, #tpu.memory_space<hbm>> -> memref<1x1x128x128xf32, #tpu.memory_space<hbm>>
    %dma_wait3A_159 = tpu.memref_squeeze %dma_wait3A_158 : memref<1x1x128x128xf32, #tpu.memory_space<hbm>> -> memref<128x128xf32, #tpu.memory_space<hbm>>
    %dma_wait3A_160 = tpu.memref_slice %arg8[%dma_wait3A_151] : memref<7x!tpu.dma_semaphore, #tpu.memory_space<semaphore_mem>> -> memref<1x!tpu.dma_semaphore, #tpu.memory_space<semaphore_mem>>
    %dma_wait3A_161 = tpu.memref_squeeze %dma_wait3A_160 : memref<1x!tpu.dma_semaphore, #tpu.memory_space<semaphore_mem>> -> memref<!tpu.dma_semaphore, #tpu.memory_space<semaphore_mem>>
    %dma_wait3A_162 = arith.constant 0 : i32
    %dma_wait3A_163 = arith.constant 0 : i32
    %dma_wait3A_164 = tpu.memref_slice %arg4[%dma_wait3A_149, %dma_wait3A_150, %dma_wait3A_162, %dma_wait3A_163] : memref<50x32x128x128xf32, #tpu.memory_space<hbm>> -> memref<1x1x128x128xf32, #tpu.memory_space<hbm>>
    %dma_wait3A_165 = tpu.memref_squeeze %dma_wait3A_164 : memref<1x1x128x128xf32, #tpu.memory_space<hbm>> -> memref<128x128xf32, #tpu.memory_space<hbm>>
    %dma_wait3A_166 = arith.constant 0 : i32
    %dma_wait3A_167 = arith.constant 0 : i32
    %dma_wait3A_168 = tpu.memref_slice %arg6[%dma_wait3A_148, %dma_wait3A_166, %dma_wait3A_167] : memref<7x128x128xf32, #tpu.memory_space<vmem>> -> memref<1x128x128xf32, #tpu.memory_space<vmem>>
    %dma_wait3A_169 = tpu.memref_squeeze %dma_wait3A_168 : memref<1x128x128xf32, #tpu.memory_space<vmem>> -> memref<128x128xf32, #tpu.memory_space<vmem>>
    tpu.wait_dma2 semaphore(%dma_wait3A_161 : memref<!tpu.dma_semaphore, #tpu.memory_space<semaphore_mem>>) src(%dma_wait3A_169 : memref<128x128xf32, #tpu.memory_space<vmem>>) dst(%dma_wait3A_165 : memref<128x128xf32, #tpu.memory_space<hbm>>)
    %dma_wait3A_170 = arith.constant 1 : i32
    %dma_wait3A_171 = arith.constant 0 : i32
    %dma_wait3A_172 = arith.constant 0 : i32
    %dma_wait3A_173 = arith.constant 1 : i32
    %dma_wait3A_174 = arith.constant 0 : i32
    %dma_wait3A_175 = arith.constant 0 : i32
    %dma_wait3A_176 = tpu.memref_slice %arg6[%dma_wait3A_170, %dma_wait3A_174, %dma_wait3A_175] : memref<7x128x128xf32, #tpu.memory_space<vmem>> -> memref<1x128x128xf32, #tpu.memory_space<vmem>>
    %dma_wait3A_177 = tpu.memref_squeeze %dma_wait3A_176 : memref<1x128x128xf32, #tpu.memory_space<vmem>> -> memref<128x128xf32, #tpu.memory_space<vmem>>
    %dma_wait3A_178 = arith.constant 0 : i32
    %dma_wait3A_179 = arith.constant 0 : i32
    %dma_wait3A_180 = tpu.memref_slice %arg4[%dma_wait3A_171, %dma_wait3A_172, %dma_wait3A_178, %dma_wait3A_179] : memref<50x32x128x128xf32, #tpu.memory_space<hbm>> -> memref<1x1x128x128xf32, #tpu.memory_space<hbm>>
    %dma_wait3A_181 = tpu.memref_squeeze %dma_wait3A_180 : memref<1x1x128x128xf32, #tpu.memory_space<hbm>> -> memref<128x128xf32, #tpu.memory_space<hbm>>
    %dma_wait3A_182 = tpu.memref_slice %arg8[%dma_wait3A_173] : memref<7x!tpu.dma_semaphore, #tpu.memory_space<semaphore_mem>> -> memref<1x!tpu.dma_semaphore, #tpu.memory_space<semaphore_mem>>
    %dma_wait3A_183 = tpu.memref_squeeze %dma_wait3A_182 : memref<1x!tpu.dma_semaphore, #tpu.memory_space<semaphore_mem>> -> memref<!tpu.dma_semaphore, #tpu.memory_space<semaphore_mem>>
    %dma_wait3A_184 = arith.constant 0 : i32
    %dma_wait3A_185 = arith.constant 0 : i32
    %dma_wait3A_186 = tpu.memref_slice %arg4[%dma_wait3A_171, %dma_wait3A_172, %dma_wait3A_184, %dma_wait3A_185] : memref<50x32x128x128xf32, #tpu.memory_space<hbm>> -> memref<1x1x128x128xf32, #tpu.memory_space<hbm>>
    %dma_wait3A_187 = tpu.memref_squeeze %dma_wait3A_186 : memref<1x1x128x128xf32, #tpu.memory_space<hbm>> -> memref<128x128xf32, #tpu.memory_space<hbm>>
    %dma_wait3A_188 = arith.constant 0 : i32
    %dma_wait3A_189 = arith.constant 0 : i32
    %dma_wait3A_190 = tpu.memref_slice %arg6[%dma_wait3A_170, %dma_wait3A_188, %dma_wait3A_189] : memref<7x128x128xf32, #tpu.memory_space<vmem>> -> memref<1x128x128xf32, #tpu.memory_space<vmem>>
    %dma_wait3A_191 = tpu.memref_squeeze %dma_wait3A_190 : memref<1x128x128xf32, #tpu.memory_space<vmem>> -> memref<128x128xf32, #tpu.memory_space<vmem>>
    tpu.wait_dma2 semaphore(%dma_wait3A_183 : memref<!tpu.dma_semaphore, #tpu.memory_space<semaphore_mem>>) src(%dma_wait3A_191 : memref<128x128xf32, #tpu.memory_space<vmem>>) dst(%dma_wait3A_187 : memref<128x128xf32, #tpu.memory_space<hbm>>)
    %dma_wait3A_192 = arith.constant 2 : i32
    %dma_wait3A_193 = arith.constant 0 : i32
    %dma_wait3A_194 = arith.constant 0 : i32
    %dma_wait3A_195 = arith.constant 2 : i32
    %dma_wait3A_196 = arith.constant 0 : i32
    %dma_wait3A_197 = arith.constant 0 : i32
    %dma_wait3A_198 = tpu.memref_slice %arg6[%dma_wait3A_192, %dma_wait3A_196, %dma_wait3A_197] : memref<7x128x128xf32, #tpu.memory_space<vmem>> -> memref<1x128x128xf32, #tpu.memory_space<vmem>>
    %dma_wait3A_199 = tpu.memref_squeeze %dma_wait3A_198 : memref<1x128x128xf32, #tpu.memory_space<vmem>> -> memref<128x128xf32, #tpu.memory_space<vmem>>
    %dma_wait3A_200 = arith.constant 0 : i32
    %dma_wait3A_201 = arith.constant 0 : i32
    %dma_wait3A_202 = tpu.memref_slice %arg4[%dma_wait3A_193, %dma_wait3A_194, %dma_wait3A_200, %dma_wait3A_201] : memref<50x32x128x128xf32, #tpu.memory_space<hbm>> -> memref<1x1x128x128xf32, #tpu.memory_space<hbm>>
    %dma_wait3A_203 = tpu.memref_squeeze %dma_wait3A_202 : memref<1x1x128x128xf32, #tpu.memory_space<hbm>> -> memref<128x128xf32, #tpu.memory_space<hbm>>
    %dma_wait3A_204 = tpu.memref_slice %arg8[%dma_wait3A_195] : memref<7x!tpu.dma_semaphore, #tpu.memory_space<semaphore_mem>> -> memref<1x!tpu.dma_semaphore, #tpu.memory_space<semaphore_mem>>
    %dma_wait3A_205 = tpu.memref_squeeze %dma_wait3A_204 : memref<1x!tpu.dma_semaphore, #tpu.memory_space<semaphore_mem>> -> memref<!tpu.dma_semaphore, #tpu.memory_space<semaphore_mem>>
    %dma_wait3A_206 = arith.constant 0 : i32
    %dma_wait3A_207 = arith.constant 0 : i32
    %dma_wait3A_208 = tpu.memref_slice %arg4[%dma_wait3A_193, %dma_wait3A_194, %dma_wait3A_206, %dma_wait3A_207] : memref<50x32x128x128xf32, #tpu.memory_space<hbm>> -> memref<1x1x128x128xf32, #tpu.memory_space<hbm>>
    %dma_wait3A_209 = tpu.memref_squeeze %dma_wait3A_208 : memref<1x1x128x128xf32, #tpu.memory_space<hbm>> -> memref<128x128xf32, #tpu.memory_space<hbm>>
    %dma_wait3A_210 = arith.constant 0 : i32
    %dma_wait3A_211 = arith.constant 0 : i32
    %dma_wait3A_212 = tpu.memref_slice %arg6[%dma_wait3A_192, %dma_wait3A_210, %dma_wait3A_211] : memref<7x128x128xf32, #tpu.memory_space<vmem>> -> memref<1x128x128xf32, #tpu.memory_space<vmem>>
    %dma_wait3A_213 = tpu.memref_squeeze %dma_wait3A_212 : memref<1x128x128xf32, #tpu.memory_space<vmem>> -> memref<128x128xf32, #tpu.memory_space<vmem>>
    tpu.wait_dma2 semaphore(%dma_wait3A_205 : memref<!tpu.dma_semaphore, #tpu.memory_space<semaphore_mem>>) src(%dma_wait3A_213 : memref<128x128xf32, #tpu.memory_space<vmem>>) dst(%dma_wait3A_209 : memref<128x128xf32, #tpu.memory_space<hbm>>)
    %dma_wait3A_214 = arith.constant 3 : i32
    %dma_wait3A_215 = arith.constant 0 : i32
    %dma_wait3A_216 = arith.constant 0 : i32
    %dma_wait3A_217 = arith.constant 3 : i32
    %dma_wait3A_218 = arith.constant 0 : i32
    %dma_wait3A_219 = arith.constant 0 : i32
    %dma_wait3A_220 = tpu.memref_slice %arg6[%dma_wait3A_214, %dma_wait3A_218, %dma_wait3A_219] : memref<7x128x128xf32, #tpu.memory_space<vmem>> -> memref<1x128x128xf32, #tpu.memory_space<vmem>>
    %dma_wait3A_221 = tpu.memref_squeeze %dma_wait3A_220 : memref<1x128x128xf32, #tpu.memory_space<vmem>> -> memref<128x128xf32, #tpu.memory_space<vmem>>
    %dma_wait3A_222 = arith.constant 0 : i32
    %dma_wait3A_223 = arith.constant 0 : i32
    %dma_wait3A_224 = tpu.memref_slice %arg4[%dma_wait3A_215, %dma_wait3A_216, %dma_wait3A_222, %dma_wait3A_223] : memref<50x32x128x128xf32, #tpu.memory_space<hbm>> -> memref<1x1x128x128xf32, #tpu.memory_space<hbm>>
    %dma_wait3A_225 = tpu.memref_squeeze %dma_wait3A_224 : memref<1x1x128x128xf32, #tpu.memory_space<hbm>> -> memref<128x128xf32, #tpu.memory_space<hbm>>
    %dma_wait3A_226 = tpu.memref_slice %arg8[%dma_wait3A_217] : memref<7x!tpu.dma_semaphore, #tpu.memory_space<semaphore_mem>> -> memref<1x!tpu.dma_semaphore, #tpu.memory_space<semaphore_mem>>
    %dma_wait3A_227 = tpu.memref_squeeze %dma_wait3A_226 : memref<1x!tpu.dma_semaphore, #tpu.memory_space<semaphore_mem>> -> memref<!tpu.dma_semaphore, #tpu.memory_space<semaphore_mem>>
    %dma_wait3A_228 = arith.constant 0 : i32
    %dma_wait3A_229 = arith.constant 0 : i32
    %dma_wait3A_230 = tpu.memref_slice %arg4[%dma_wait3A_215, %dma_wait3A_216, %dma_wait3A_228, %dma_wait3A_229] : memref<50x32x128x128xf32, #tpu.memory_space<hbm>> -> memref<1x1x128x128xf32, #tpu.memory_space<hbm>>
    %dma_wait3A_231 = tpu.memref_squeeze %dma_wait3A_230 : memref<1x1x128x128xf32, #tpu.memory_space<hbm>> -> memref<128x128xf32, #tpu.memory_space<hbm>>
    %dma_wait3A_232 = arith.constant 0 : i32
    %dma_wait3A_233 = arith.constant 0 : i32
    %dma_wait3A_234 = tpu.memref_slice %arg6[%dma_wait3A_214, %dma_wait3A_232, %dma_wait3A_233] : memref<7x128x128xf32, #tpu.memory_space<vmem>> -> memref<1x128x128xf32, #tpu.memory_space<vmem>>
    %dma_wait3A_235 = tpu.memref_squeeze %dma_wait3A_234 : memref<1x128x128xf32, #tpu.memory_space<vmem>> -> memref<128x128xf32, #tpu.memory_space<vmem>>
    tpu.wait_dma2 semaphore(%dma_wait3A_227 : memref<!tpu.dma_semaphore, #tpu.memory_space<semaphore_mem>>) src(%dma_wait3A_235 : memref<128x128xf32, #tpu.memory_space<vmem>>) dst(%dma_wait3A_231 : memref<128x128xf32, #tpu.memory_space<hbm>>)
    %dma_wait3A_236 = arith.constant 4 : i32
    %dma_wait3A_237 = arith.constant 0 : i32
    %dma_wait3A_238 = arith.constant 0 : i32
    %dma_wait3A_239 = arith.constant 4 : i32
    %dma_wait3A_240 = arith.constant 0 : i32
    %dma_wait3A_241 = arith.constant 0 : i32
    %dma_wait3A_242 = tpu.memref_slice %arg6[%dma_wait3A_236, %dma_wait3A_240, %dma_wait3A_241] : memref<7x128x128xf32, #tpu.memory_space<vmem>> -> memref<1x128x128xf32, #tpu.memory_space<vmem>>
    %dma_wait3A_243 = tpu.memref_squeeze %dma_wait3A_242 : memref<1x128x128xf32, #tpu.memory_space<vmem>> -> memref<128x128xf32, #tpu.memory_space<vmem>>
    %dma_wait3A_244 = arith.constant 0 : i32
    %dma_wait3A_245 = arith.constant 0 : i32
    %dma_wait3A_246 = tpu.memref_slice %arg4[%dma_wait3A_237, %dma_wait3A_238, %dma_wait3A_244, %dma_wait3A_245] : memref<50x32x128x128xf32, #tpu.memory_space<hbm>> -> memref<1x1x128x128xf32, #tpu.memory_space<hbm>>
    %dma_wait3A_247 = tpu.memref_squeeze %dma_wait3A_246 : memref<1x1x128x128xf32, #tpu.memory_space<hbm>> -> memref<128x128xf32, #tpu.memory_space<hbm>>
    %dma_wait3A_248 = tpu.memref_slice %arg8[%dma_wait3A_239] : memref<7x!tpu.dma_semaphore, #tpu.memory_space<semaphore_mem>> -> memref<1x!tpu.dma_semaphore, #tpu.memory_space<semaphore_mem>>
    %dma_wait3A_249 = tpu.memref_squeeze %dma_wait3A_248 : memref<1x!tpu.dma_semaphore, #tpu.memory_space<semaphore_mem>> -> memref<!tpu.dma_semaphore, #tpu.memory_space<semaphore_mem>>
    %dma_wait3A_250 = arith.constant 0 : i32
    %dma_wait3A_251 = arith.constant 0 : i32
    %dma_wait3A_252 = tpu.memref_slice %arg4[%dma_wait3A_237, %dma_wait3A_238, %dma_wait3A_250, %dma_wait3A_251] : memref<50x32x128x128xf32, #tpu.memory_space<hbm>> -> memref<1x1x128x128xf32, #tpu.memory_space<hbm>>
    %dma_wait3A_253 = tpu.memref_squeeze %dma_wait3A_252 : memref<1x1x128x128xf32, #tpu.memory_space<hbm>> -> memref<128x128xf32, #tpu.memory_space<hbm>>
    %dma_wait3A_254 = arith.constant 0 : i32
    %dma_wait3A_255 = arith.constant 0 : i32
    %dma_wait3A_256 = tpu.memref_slice %arg6[%dma_wait3A_236, %dma_wait3A_254, %dma_wait3A_255] : memref<7x128x128xf32, #tpu.memory_space<vmem>> -> memref<1x128x128xf32, #tpu.memory_space<vmem>>
    %dma_wait3A_257 = tpu.memref_squeeze %dma_wait3A_256 : memref<1x128x128xf32, #tpu.memory_space<vmem>> -> memref<128x128xf32, #tpu.memory_space<vmem>>
    tpu.wait_dma2 semaphore(%dma_wait3A_249 : memref<!tpu.dma_semaphore, #tpu.memory_space<semaphore_mem>>) src(%dma_wait3A_257 : memref<128x128xf32, #tpu.memory_space<vmem>>) dst(%dma_wait3A_253 : memref<128x128xf32, #tpu.memory_space<hbm>>)
    %dma_wait3A_258 = arith.constant 5 : i32
    %dma_wait3A_259 = arith.constant 0 : i32
    %dma_wait3A_260 = arith.constant 0 : i32
    %dma_wait3A_261 = arith.constant 5 : i32
    %dma_wait3A_262 = arith.constant 0 : i32
    %dma_wait3A_263 = arith.constant 0 : i32
    %dma_wait3A_264 = tpu.memref_slice %arg6[%dma_wait3A_258, %dma_wait3A_262, %dma_wait3A_263] : memref<7x128x128xf32, #tpu.memory_space<vmem>> -> memref<1x128x128xf32, #tpu.memory_space<vmem>>
    %dma_wait3A_265 = tpu.memref_squeeze %dma_wait3A_264 : memref<1x128x128xf32, #tpu.memory_space<vmem>> -> memref<128x128xf32, #tpu.memory_space<vmem>>
    %dma_wait3A_266 = arith.constant 0 : i32
    %dma_wait3A_267 = arith.constant 0 : i32
    %dma_wait3A_268 = tpu.memref_slice %arg4[%dma_wait3A_259, %dma_wait3A_260, %dma_wait3A_266, %dma_wait3A_267] : memref<50x32x128x128xf32, #tpu.memory_space<hbm>> -> memref<1x1x128x128xf32, #tpu.memory_space<hbm>>
    %dma_wait3A_269 = tpu.memref_squeeze %dma_wait3A_268 : memref<1x1x128x128xf32, #tpu.memory_space<hbm>> -> memref<128x128xf32, #tpu.memory_space<hbm>>
    %dma_wait3A_270 = tpu.memref_slice %arg8[%dma_wait3A_261] : memref<7x!tpu.dma_semaphore, #tpu.memory_space<semaphore_mem>> -> memref<1x!tpu.dma_semaphore, #tpu.memory_space<semaphore_mem>>
    %dma_wait3A_271 = tpu.memref_squeeze %dma_wait3A_270 : memref<1x!tpu.dma_semaphore, #tpu.memory_space<semaphore_mem>> -> memref<!tpu.dma_semaphore, #tpu.memory_space<semaphore_mem>>
    %dma_wait3A_272 = arith.constant 0 : i32
    %dma_wait3A_273 = arith.constant 0 : i32
    %dma_wait3A_274 = tpu.memref_slice %arg4[%dma_wait3A_259, %dma_wait3A_260, %dma_wait3A_272, %dma_wait3A_273] : memref<50x32x128x128xf32, #tpu.memory_space<hbm>> -> memref<1x1x128x128xf32, #tpu.memory_space<hbm>>
    %dma_wait3A_275 = tpu.memref_squeeze %dma_wait3A_274 : memref<1x1x128x128xf32, #tpu.memory_space<hbm>> -> memref<128x128xf32, #tpu.memory_space<hbm>>
    %dma_wait3A_276 = arith.constant 0 : i32
    %dma_wait3A_277 = arith.constant 0 : i32
    %dma_wait3A_278 = tpu.memref_slice %arg6[%dma_wait3A_258, %dma_wait3A_276, %dma_wait3A_277] : memref<7x128x128xf32, #tpu.memory_space<vmem>> -> memref<1x128x128xf32, #tpu.memory_space<vmem>>
    %dma_wait3A_279 = tpu.memref_squeeze %dma_wait3A_278 : memref<1x128x128xf32, #tpu.memory_space<vmem>> -> memref<128x128xf32, #tpu.memory_space<vmem>>
    tpu.wait_dma2 semaphore(%dma_wait3A_271 : memref<!tpu.dma_semaphore, #tpu.memory_space<semaphore_mem>>) src(%dma_wait3A_279 : memref<128x128xf32, #tpu.memory_space<vmem>>) dst(%dma_wait3A_275 : memref<128x128xf32, #tpu.memory_space<hbm>>)
    %dma_wait3A_280 = arith.constant 6 : i32
    %dma_wait3A_281 = arith.constant 0 : i32
    %dma_wait3A_282 = arith.constant 0 : i32
    %dma_wait3A_283 = arith.constant 6 : i32
    %dma_wait3A_284 = arith.constant 0 : i32
    %dma_wait3A_285 = arith.constant 0 : i32
    %dma_wait3A_286 = tpu.memref_slice %arg6[%dma_wait3A_280, %dma_wait3A_284, %dma_wait3A_285] : memref<7x128x128xf32, #tpu.memory_space<vmem>> -> memref<1x128x128xf32, #tpu.memory_space<vmem>>
    %dma_wait3A_287 = tpu.memref_squeeze %dma_wait3A_286 : memref<1x128x128xf32, #tpu.memory_space<vmem>> -> memref<128x128xf32, #tpu.memory_space<vmem>>
    %dma_wait3A_288 = arith.constant 0 : i32
    %dma_wait3A_289 = arith.constant 0 : i32
    %dma_wait3A_290 = tpu.memref_slice %arg4[%dma_wait3A_281, %dma_wait3A_282, %dma_wait3A_288, %dma_wait3A_289] : memref<50x32x128x128xf32, #tpu.memory_space<hbm>> -> memref<1x1x128x128xf32, #tpu.memory_space<hbm>>
    %dma_wait3A_291 = tpu.memref_squeeze %dma_wait3A_290 : memref<1x1x128x128xf32, #tpu.memory_space<hbm>> -> memref<128x128xf32, #tpu.memory_space<hbm>>
    %dma_wait3A_292 = tpu.memref_slice %arg8[%dma_wait3A_283] : memref<7x!tpu.dma_semaphore, #tpu.memory_space<semaphore_mem>> -> memref<1x!tpu.dma_semaphore, #tpu.memory_space<semaphore_mem>>
    %dma_wait3A_293 = tpu.memref_squeeze %dma_wait3A_292 : memref<1x!tpu.dma_semaphore, #tpu.memory_space<semaphore_mem>> -> memref<!tpu.dma_semaphore, #tpu.memory_space<semaphore_mem>>
    %dma_wait3A_294 = arith.constant 0 : i32
    %dma_wait3A_295 = arith.constant 0 : i32
    %dma_wait3A_296 = tpu.memref_slice %arg4[%dma_wait3A_281, %dma_wait3A_282, %dma_wait3A_294, %dma_wait3A_295] : memref<50x32x128x128xf32, #tpu.memory_space<hbm>> -> memref<1x1x128x128xf32, #tpu.memory_space<hbm>>
    %dma_wait3A_297 = tpu.memref_squeeze %dma_wait3A_296 : memref<1x1x128x128xf32, #tpu.memory_space<hbm>> -> memref<128x128xf32, #tpu.memory_space<hbm>>
    %dma_wait3A_298 = arith.constant 0 : i32
    %dma_wait3A_299 = arith.constant 0 : i32
    %dma_wait3A_300 = tpu.memref_slice %arg6[%dma_wait3A_280, %dma_wait3A_298, %dma_wait3A_299] : memref<7x128x128xf32, #tpu.memory_space<vmem>> -> memref<1x128x128xf32, #tpu.memory_space<vmem>>
    %dma_wait3A_301 = tpu.memref_squeeze %dma_wait3A_300 : memref<1x128x128xf32, #tpu.memory_space<vmem>> -> memref<128x128xf32, #tpu.memory_space<vmem>>
    tpu.wait_dma2 semaphore(%dma_wait3A_293 : memref<!tpu.dma_semaphore, #tpu.memory_space<semaphore_mem>>) src(%dma_wait3A_301 : memref<128x128xf32, #tpu.memory_space<vmem>>) dst(%dma_wait3A_297 : memref<128x128xf32, #tpu.memory_space<hbm>>)
    return
  }
}

</mosaic_0001>

<sc_bundles>
// kernel: kernel.3.cloned.1.call-start
scs
__scs_entry_jumppad:
0x0: {  	(pc) =	sbr.rel $0x88, $3  }
0x1: {  	(tag) =	ssettag $0x0;
	lr =	simm.s32 $0x1  }
0x2: {  	[smem:$0x3F9F] =	sst lr;
	_ =	strace $0xD0000000  }
0x3: {  	_ = 	snop  }
0x4: {  	_ = 	snop  }
0x5: {  	_ = 	snop  }
0x6: {  	_ = 	snop  }
0x7: {  	_ = 	snop  }
__scs_overlays_trampoline_lowered:
0x8: {  	[smem:$0x3FAE] =	sst s0  }
0x9: {  	[smem:$0x3FAF] =	sst s1  }
0xa: {  	[smem:$0x3FB0] =	sst s2  }
0xb: {  	[smem:$0x3FB1] =	sst s3  }
0xc: {  	[smem:$0x3FB2] =	sst s4  }
0xd: {  	[smem:$0x3FB3] =	sst s5  }
0xe: {  	[smem:$0x3FB4] =	sst s6  }
0xf: {  	[smem:$0x3FB5] =	sst s7  }
0x10: {  	[smem:$0x3FB6] =	sst s8  }
0x11: {  	[smem:$0x3FB7] =	sst s9;
	s0 =	simm.s32 @!p0 $0x0  }
0x12: {  	s1 =	sld [smem:$0x3F9D];
	s0 =	simm.s32 @p0 $0x1  }
0x13: {  	[smem:$0x3FB8] =	sst s0;
	s0 =	simm.s32 @!p1 $0x0  }
0x14: {  	s2 =	sld [smem:$0x3F9C];
	s0 =	simm.s32 @p1 $0x1  }
0x15: {  	[smem:$0x3FB9] =	sst s0;
	s0 =	simm.s32 @!p2 $0x0  }
0x16: {  	s3 =	sld [smem:$0x3FDB];
	s0 =	simm.s32 @p2 $0x1  }
0x17: {  	s4 =	simm.s32 $0x1BF5;
	[smem:$0x3FBB] =	sst s0  }
0x18: {  	s0 =	sld [smem:$0x3F9E];
	_ =	swait.ge [sflag:s4], $0x0  }
0x19: {  	s7 =	sld [smem:$0x3F9F]  }
0x1a: {  	s8 =	sadd.s32 $0xFFFFE003, lr  }
0x1b: {  	s9 =	sadd.s32 $0xFFFFFEF7, lr;
	s5 =	simm.s32 $0xFFFFFFFF;
	p2 =	slt.u32 s8, $0xFFFFF086  }
0x1c: {  	p1 =	slt.u32 s9, $0xF7A;
	s5 =	simm.s32 @!p2 $0x0  }
0x1d: {  	s5 =	simm.s32 @p1 $0x1;
	p0 =	seq.s32 s7, s2  }
0x1e: {  	s7 =	smul.u32 @!p0 $0xF7A, s2;
	p2 =	seq.s32 @!p0 s5, $0x0  }
0x1f: {  	s9 =	smul.u32 $0xF7A, s1;
	s8 =	simm.s32 @!p0 $0x1BF5;
	p2 =	por !p2, p0  }
0x20: {  	[sflag:s8] =	ssyncset.s32 @!p0 $0xFFFFF086;
	s6 =	sadd.s32 @!p0 s3, s7;
	s7 =	simm.s32 @!p0 $0x108  }
0x21: {  	s3 =	sadd.s32 s3, s9;
	s6 =	sadd.s32 @!p0 $0x88, s6;
	s7 =	simm.s32 @p2 $0x1082  }
0x22: {  	[simem:s7], [sflag:s8] =	dma.local @!p0 [hbm:s6], $0xF7A  }
0x23: {  	s9 =	sor.u32 $0xD0000000, s2;
	s6 =	simm.s32 $0x108;
	_ =	swait.ge @!p0 [sflag:s8], $0x0  }
0x24: {  	s3 =	sadd.s32 $0x88, s3;
	s6 =	simm.s32 @!p1 $0x1082;
	[sflag:s4] =	ssyncset.s32 $0xFFFFF086  }
0x25: {  	[simem:s6], [sflag:s4] =	dma.local [hbm:s3], $0xF7A  }
0x26: {  	[smem:$0x3F9F] =	sst s1;
	(tag) =	ssettag s2;
	_ =	strace s9  }
0x27: {  	s1 =	sld [smem:$0x3FAF]  }
0x28: {  	s2 =	sld [smem:$0x3FB0]  }
0x29: {  	s4 =	sld [smem:$0x3FB2]  }
0x2a: {  	p0 =	seq.s32 s5, $0x0;
	s5 =	sld [smem:$0x3FB3]  }
0x2b: {  	s6 =	sld [smem:$0x3FB4]  }
0x2c: {  	s7 =	sld [smem:$0x3FB5]  }
0x2d: {  	s3 =	simm.s32 $0x108;
	s8 =	sld [smem:$0x3FB6]  }
0x2e: {  	s3 =	simm.s32 @!p0 $0x1082;
	s9 =	sld [smem:$0x3FB7]  }
0x2f: {  	lr =	sadd.s32 s0, s3;
	s0 =	sld [smem:$0x3FAE]  }
0x30: {  	s3 =	sld [smem:$0x3FB1]  }
0x31: {  	[smem:$0x3FBA] =	sst s10  }
0x32: {  	s10 =	sld [smem:$0x3FB8];
	_ =	sdelay $0x3  }
0x33: {  	p0 =	seq.s32 s10, $0x1;
	s10 =	sld [smem:$0x3FBA];
	_ =	sdelay $0x3  }
0x34: {  	[smem:$0x3FBA] =	sst s10  }
0x35: {  	s10 =	sld [smem:$0x3FB9];
	_ =	sdelay $0x3  }
0x36: {  	p1 =	seq.s32 s10, $0x1;
	s10 =	sld [smem:$0x3FBA];
	_ =	sdelay $0x3  }
0x37: {  	[smem:$0x3FBA] =	sst s10  }
0x38: {  	s10 =	sld [smem:$0x3FBB]  }
0x39: {  	_ = 	snop;
	(pc) =	sbr.ind lr, $3  }
0x3a: {  	_ = 	snop  }
0x3b: {  	_ = 	snop  }
0x3c: {  	p2 =	seq.s32 s10, $0x1;
	s10 =	sld [smem:$0x3FBA]  }
0x3d: {  	_ =	shalt  }
0x3e: {  	_ =	shalt  }
0x3f: {  	_ =	shalt  }
0x40: {  	_ =	shalt  }
0x41: {  	_ =	shalt  }
0x42: {  	_ =	shalt  }
0x43: {  	_ =	shalt  }
0x44: {  	_ =	shalt  }
0x45: {  	_ =	shalt  }
0x46: {  	_ =	shalt  }
0x47: {  	_ =	shalt  }
0x48: {  	_ =	shalt  }
0x49: {  	_ =	shalt  }
0x4a: {  	_ =	shalt  }
0x4b: {  	_ =	shalt  }
0x4c: {  	_ =	shalt  }
0x4d: {  	_ =	shalt  }
0x4e: {  	_ =	shalt  }
0x4f: {  	_ =	shalt  }
0x50: {  	_ =	shalt  }
0x51: {  	_ =	shalt  }
0x52: {  	_ =	shalt  }
0x53: {  	_ =	shalt  }
0x54: {  	_ =	shalt  }
0x55: {  	_ =	shalt  }
0x56: {  	_ =	shalt  }
0x57: {  	_ =	shalt  }
0x58: {  	_ =	shalt  }
0x59: {  	_ =	shalt  }
0x5a: {  	_ =	shalt  }
0x5b: {  	_ =	shalt  }
0x5c: {  	_ =	shalt  }
0x5d: {  	_ =	shalt  }
0x5e: {  	_ =	shalt  }
0x5f: {  	_ =	shalt  }
0x60: {  	_ =	shalt  }
0x61: {  	_ =	shalt  }
0x62: {  	_ =	shalt  }
0x63: {  	_ =	shalt  }
0x64: {  	_ =	shalt  }
0x65: {  	_ =	shalt  }
0x66: {  	_ =	shalt  }
0x67: {  	_ =	shalt  }
0x68: {  	_ =	shalt  }
0x69: {  	_ =	shalt  }
0x6a: {  	_ =	shalt  }
0x6b: {  	_ =	shalt  }
0x6c: {  	_ =	shalt  }
0x6d: {  	_ =	shalt  }
0x6e: {  	_ =	shalt  }
0x6f: {  	_ =	shalt  }
0x70: {  	_ =	shalt  }
0x71: {  	_ =	shalt  }
0x72: {  	_ =	shalt  }
0x73: {  	_ =	shalt  }
0x74: {  	_ =	shalt  }
0x75: {  	_ =	shalt  }
0x76: {  	_ =	shalt  }
0x77: {  	_ =	shalt  }
0x78: {  	_ =	shalt  }
0x79: {  	_ =	shalt  }
0x7a: {  	_ =	shalt  }
0x7b: {  	_ =	shalt  }
0x7c: {  	_ =	shalt  }
0x7d: {  	_ =	shalt  }
0x7e: {  	_ =	shalt  }
0x7f: {  	_ =	shalt  }
0x80: {  	_ =	shalt  }
0x81: {  	_ =	shalt  }
0x82: {  	_ =	shalt  }
0x83: {  	_ =	shalt  }
0x84: {  	_ =	shalt  }
0x85: {  	_ =	shalt  }
0x86: {  	_ =	shalt  }
0x87: {  	_ =	shalt  }
.Lfunc_end0:
.L_simem_size_0:
called_computation_lowered:
.L_overlay_start_0:
0x88: {  	s2 =	sld [smem:$0x3FD9]  }
0x89: {  	s3 =	sld [smem:$0x3FFE];
	_ =	sdelay $0x1  }
0x8a: {  	s1 =	srdreg.scid  }
0x8b: {  	s0 =	sand.u32 $0x1, s1  }
0x8c: {  	s17 =	sshll.u32 s0, $0xA;
	s2 =	sadd.s32 s3, s2  }
0x8d: {  	s2 =	sadd.s32 s2, s17  }
0x8e: {  	[smem:$0x3FC6] =	sst s2  }
0x8f: {  	_ = 	snop  }
0x90: {  	s2 =	sld [smem:$0x3FC8]  }
0x91: {  	s18 =	sld [smem:$0x3FD0];
	(tm) =	ssettm $0x1  }
0x92: {  	s4 =	sld [smem:$0x3FFB];
	_ =	sdelay $0x3  }
0x93: {  	_ =	strace s4  }
0x94: {  	s4 =	sld [smem:$0x3FFC];
	_ =	sdelay $0x3  }
0x95: {  	_ =	strace s4  }
0x96: {  	s4 =	sld [smem:$0x3FFD];
	_ =	sdelay $0x3  }
0x97: {  	_ =	strace s4  }
0x98: {  	_ =	strace $0x8FFFFFFF  }
0x99: {  	s19 =	sld [smem:$0x3FDB];
	_ =	sdelay $0x1  }
0x9a: {  	s5 =	simm.s32 $_scs_section_size  }
0x9b: {  	s6 =	simm.s32 $_size__tile_overlayer_lowered;
	s7 =	simm.s32 $_tile_overlayer_lowered  }
0x9c: {  	s22 =	simm.s32 $0x1BFF;
	s21 =	sshll.u32 s7, $0x1;
	s4 =	sadd.s32 s5, s19  }
0x9d: {  	s8 =	simm.s32 $0x0;
	s20 =	sshll.u32 s6, $0x1;
	s6 =	sadd.s32 s21, s4  }
0x9e: {  	[timem:s8], [sflag:s22] =	dma.local [hbm:s6], s20  }
0x9f: {  	_ =	swait.ge [sflag:s22], s20  }
0xa0: {  	s5 =	ssub.s32 $0x0, s20;
	[sflag:s22] =	ssyncset.done $0x0  }
0xa1: {  	[sflag:s22] =	ssyncadd.s32 s5;
	_ =	sdelay $0x1  }
0xa2: {  	s23 =	simm.s32 $0x1B8B  }
0xa3: {  	_ =	swait.ge [sflag:s23], $0x1  }
0xa4: {  	[sflag:s23] =	ssyncset.done $0x0  }
0xa5: {  	s25 =	simm.s32 $0x1B8E;
	s24 =	sld [smem:$0x3FFE];
	[sflag:s23] =	ssyncadd.s32 $0xFFFFFFFF  }
0xa6: {  	s26 =	simm.s32 $execute0_lowered;
	[smem:$0x3FD2] =	sst s25  }
0xa7: {  	s6 =	sshll.u32 s26, $0x1;
	_ =	strace $0x80000046;
	[dreg:$0x1] =	wrdreg $0xFFFFFFFF  }
0xa8: {  	s28 =	simm.s32 $_size_execute0_lowered;
	s4 =	sadd.s32 s4, s6;
	[dreg:$0x0] =	wrdreg $0x0  }
0xa9: {  	s6 =	sshll.u32 s28, $0x1;
	[dreg:$0x2] =	wrdreg s4  }
0xaa: {  	[dreg:$0x3] =	wrdreg s6  }
0xab: {  	[dreg:$0x4] =	wrdreg $0xC0  }
0xac: {  	_ =	task [dreg:s8], $0x5FFFF  }
0xad: {  	[dreg:$0x1] =	wrdreg $0xFFFFFFFF  }
0xae: {  	[dreg:$0x0] =	wrdreg $0x60  }
0xaf: {  	[dreg:$0x2] =	wrdreg s24  }
0xb0: {  	[dreg:$0x3] =	wrdreg s2  }
0xb1: {  	[dreg:$0x4] =	wrdreg s18  }
0xb2: {  	[dreg:$0x5] =	wrdreg $0x9  }
0xb3: {  	_ =	task.clear_ibuf [dreg:s8], $0x6FFFF;
	_ =	strace $0x90000046  }
0xb4: {  	s29 =	simm.s32 $0x9;
	_ =	strace $0x80000048  }
0xb5: {  	_ =	swait.ge [sflag:s29], $0x1  }
0xb6: {  	[sflag:s29] =	ssyncadd.s32 $0xFFFFFFFF  }
0xb7: {  	_ =	strace $0x90000048  }
0xb8: {  	_ =	sfence  }
0xb9: {  	s30 =	sld [smem:$0x0];
	_ =	sdelay $0x2  }
0xba: {  	s31 =	sshll.u32 s1, $0xD;
	s1 =	sshrl.u32 s1, $0x2  }
0xbb: {  	s3 =	sand.u32 $0x4000, s31;
	s1 =	sadd.s32 s1, s30  }
0xbc: {  	s0 =	sor.u32 s3, s0;
	s1 =	sshll.u32 s1, $0x11  }
0xbd: {  	s0 =	sor.u32 s1, s0  }
0xbe: {  	s0 =	sadd.s32 $0x8F2B, s0  }
0xbf: {  	[sflag:s0] =	ssyncadd.remote.s32 $0x1  }
0xc0: {  	_ =	sfence.sel $0xFFFF  }
0xc1: {  	[dreg:$0x0] =	wrdreg $0xFFFFFFFF;
	(pc) =	sbr.abs _section_cstart, $3  }
0xc2: {  	[dreg:$0x1] =	wrdreg $0xFFFFFFFF  }
0xc3: {  	_ =	task.clear_ibuf [dreg:s8], $0x2FFFF;
	_ =	strace $0x9FFFFFFF  }
0xc4: {  	(tm) =	ssettm $0x7FFFFFFF  }
0xc5: {  	_ =	shalt  }
tec
execute0_lowered:
.L_overlay_start_1:
0x0: {  	(tag) =	ssettag $0x1  }
0x1: {  	s0 =	rddreg [dreg:$0x0]  }
0x2: {  	s2 =	rddreg [dreg:$0x1];
	s1 =	srdreg.scid  }
0x3: {  	s8 =	stileid.u32;
	s4 =	rddreg [dreg:$0x2];
	s3 =	simm.s32 $0x0  }
0x4: {  	s30 =	simm.s32 $0x15C00;
	s9 =	simm.s32 $0x0;
	s1 =	sand.u32 $0x1, s1  }
0x5: {  	s5 =	sshll.u32 s8, $0x1;
	[smem:$0x7FF] =	sst s3;
	s17 =	sshll.u32 s8, $0xF  }
0x6: {  	s5 =	sor.u32 s1, s5;
	s7 =	ssub.s32 $0x2, s1;
	_ =	strace $0x80000047  }
0x7: {  	s1 =	sshll.u32 s1, $0xE;
	s6 =	sshll.u32 s5, $0x4;
	s15 =	sshrl.u32 s7, $0x1  }
0x8: {  	s16 =	sshll.u32 s5, $0xB;
	s1 =	sor.u32 s1, s17;
	s17 =	simm.s32 $0x80  }
0x9: {  	s0 =	sadd.s32 s6, s0;
	s6 =	ssub.s32 s7, s15;
	s5 =	sor.u32 $0x300000, s1  }
0xa: {  	s20 =	sor.u32 $0x280000, s1;
	s22 =	sor.u32 $0x200000, s1;
	s24 =	sor.u32 $0x180000, s1  }
0xb: {  	s26 =	sor.u32 $0x100000, s1;
	s29 =	sor.u32 $0x80000, s1;
	s1 =	sshrl.u32 s1, $0x3  }
0xc: {  	s0 =	sadd.s32 $0x400, s0;
	s6 =	smax.u32 s6, $0x1;
	s19 =	sshrl.u32 s5, $0x3  }
0xd: {  	s21 =	sshrl.u32 s20, $0x3;
	s23 =	sshrl.u32 s22, $0x3;
	s25 =	sshrl.u32 s24, $0x3  }
0xe: {  	s28 =	sshrl.u32 s26, $0x3;
	s31 =	sshrl.u32 s29, $0x3;
	s20 =	simm.s32 $0x1C00  }
0xf: {  	s22 =	simm.s32 $0x2;
	s24 =	simm.s32 $0x6;
	s26 =	simm.s32 $0x7  }
0x10: {  	s5 =	simm.s32 $0xD;
	[dreg:$0x4] =	wrdreg s0;
	s0 =	sadd.s32 s16, s4  }
0x11: {  	[dreg:$0x6] =	wrdreg s6;
	s10 =	sadd.s32 s19, s4;
	s11 =	sadd.s32 s21, s4  }
0x12: {  	s12 =	sadd.s32 s23, s4;
	s13 =	sadd.s32 s25, s4;
	s14 =	sadd.s32 s28, s4  }
.Ltmp0:
0x13: {  	s15 =	sadd.s32 s31, s4;
	s16 =	sadd.s32 s1, s4;
	(pc) =	sbr.rel .LBB2_1-.Ltmp0, $4  }
0x14: {  	s25 =	simm.s32 $0xDC00;
	s1 =	simm.s32 $0x19C00;
	s23 =	simm.s32 $0x4  }
0x15: {  	s6 =	simm.s32 $0xE;
	s18 =	sadd.s32 $0x310000, s0;
	s7 =	sadd.s32 $0x2C0000, s0  }
0x16: {  	s8 =	sadd.s32 $0x2E0000, s0;
	s0 =	sadd.s32 $0x300000, s0;
	[dreg:$0x5] =	wrdreg s18  }
0x17: {  	[dreg:$0x7] =	wrdreg s0;
	s0 =	simm.s32 $0x1;
	s18 =	simm.s32 $0x8  }
.LBB2_4:
0x18: {  	_ =	swait.ge [sflag:s26], $0x4000  }
0x19: {  	[sflag:s26] =	ssyncset.done $0x0  }
0x1a: {  	s4 =	rddreg [dreg:$0x7];
	[sflag:s26] =	ssyncadd.s32 $0xFFFFC000  }
0x1b: {  	[hbm4b:s4+s3] =	stream.linear.scatter [tilespmem:s1], [sflag:$0xE], $0x4000, $0x38;
	[tilespmem:$0x1DC00] =	vst v63  }
0x1c: {  	_ =	swait.ge [sflag:s0], $0x4000  }
0x1d: {  	[sflag:s0] =	ssyncset.done $0x0  }
0x1e: {  	s9 =	rddreg [dreg:$0x5];
	[sflag:s0] =	ssyncadd.s32 $0xFFFFC000  }
0x1f: {  	[hbm4b:s9+s3] =	stream.linear.scatter [tilespmem:s20], [sflag:$0x8], $0x4000, $0x38;
	[tilespmem:$0x1DC00] =	vst v63  }
0x20: {  	_ =	swait.ge [sflag:s18], $0x4000  }
0x21: {  	[sflag:s18] =	ssyncset.done $0x0  }
0x22: {  	s19 =	simm.s32 $0x9;
	[sflag:s18] =	ssyncadd.s32 $0xFFFFC000  }
0x23: {  	_ =	swait.ge [sflag:s19], $0x4000  }
0x24: {  	[sflag:s19] =	ssyncset.done $0x0  }
0x25: {  	s21 =	simm.s32 $0xA;
	[sflag:s19] =	ssyncadd.s32 $0xFFFFC000  }
0x26: {  	_ =	swait.ge [sflag:s21], $0x4000  }
0x27: {  	[sflag:s21] =	ssyncset.done $0x0  }
0x28: {  	s28 =	simm.s32 $0xB;
	[sflag:s21] =	ssyncadd.s32 $0xFFFFC000  }
0x29: {  	_ =	swait.ge [sflag:s28], $0x4000  }
0x2a: {  	[sflag:s28] =	ssyncset.done $0x0  }
0x2b: {  	s29 =	simm.s32 $0xC;
	[sflag:s28] =	ssyncadd.s32 $0xFFFFC000  }
0x2c: {  	_ =	swait.ge [sflag:s29], $0x4000  }
0x2d: {  	[sflag:s29] =	ssyncset.done $0x0  }
0x2e: {  	[sflag:s29] =	ssyncadd.s32 $0xFFFFC000  }
0x2f: {  	_ =	swait.ge [sflag:s5], $0x4000  }
0x30: {  	[sflag:s5] =	ssyncset.done $0x0  }
0x31: {  	[sflag:s5] =	ssyncadd.s32 $0xFFFFC000  }
0x32: {  	_ =	swait.ge [sflag:s6], $0x4000  }
0x33: {  	s9 =	rddreg [dreg:$0x8]  }
0x34: {  	s31 =	rddreg [dreg:$0x6];
	s9 =	sadd.s32 $0x1, s9  }
0x35: {  	p0 =	sne.s32 s9, s31  }
.Ltmp1:
0x36: {  	_ = 	snop;
	(pc) =	sbr.rel @!p0 .LBB2_5-.Ltmp1, $3  }
0x37: {  	_ =	sdelay $0x1  }
0x38: {  	[sflag:s6] =	ssyncset.done $0x0  }
0x39: {  	[sflag:s6] =	ssyncadd.s32 $0xFFFFC000  }
.LBB2_1:
0x3a: {  	[dreg:$0x8] =	wrdreg s9  }
0x3b: {  	s4 =	rddreg [dreg:$0x4];
	s31 =	simm.s32 $0x1000;
	s19 =	simm.s32 $0xF  }
0x3c: {  	[tilespmem:s3], [sflag:$0xF] =	stream.strided.gather [hbm4b:s4+s17], $0x1900, s31, s17, $0x38;
	[tilespmem:$0x1DC00] =	vst v63  }
0x3d: {  	_ =	swait.ge [sflag:s19], $0x1900  }
0x3e: {  	[sflag:s19] =	ssyncset.done $0x0  }
0x3f: {  	[sflag:s19] =	ssyncadd.s32 $0xFFFFE700  }
0x40: {  	[bflag:$0x0] =	sbarrier.arrive $0xFFFF  }
0x41: {  	[tilespmem:s20], [sflag:$0x1] =	stream.indirect.gather [hbm4b:s2+s17], $0x80, s3, s17, $0xb8;
	[tilespmem:$0x1DC00] =	vst v63  }
0x42: {  	s21 =	simm.s32 $0x5C00  }
0x43: {  	[tilespmem:s21], [sflag:$0x2] =	stream.indirect.gather [hbm4b:s2+s17], $0x80, s17, s17, $0xb8;
	[tilespmem:$0x1DC00] =	vst v63  }
0x44: {  	s29 =	simm.s32 $0x100;
	s31 =	simm.s32 $0x9C00  }
0x45: {  	[tilespmem:s31], [sflag:$0x3] =	stream.indirect.gather [hbm4b:s2+s17], $0x80, s29, s17, $0xb8;
	[tilespmem:$0x1DC00] =	vst v63  }
0x46: {  	s9 =	simm.s32 $0x180  }
0x47: {  	[tilespmem:s25], [sflag:$0x4] =	stream.indirect.gather [hbm4b:s2+s17], $0x80, s9, s17, $0xb8;
	[tilespmem:$0x1DC00] =	vst v63  }
0x48: {  	s19 =	simm.s32 $0x200;
	s21 =	simm.s32 $0x11C00  }
0x49: {  	[tilespmem:s21], [sflag:$0x5] =	stream.indirect.gather [hbm4b:s2+s17], $0x80, s19, s17, $0xb8;
	[tilespmem:$0x1DC00] =	vst v63  }
0x4a: {  	s29 =	simm.s32 $0x280  }
0x4b: {  	[tilespmem:s30], [sflag:$0x6] =	stream.indirect.gather [hbm4b:s2+s17], $0x80, s29, s17, $0xb8;
	[tilespmem:$0x1DC00] =	vst v63  }
0x4c: {  	s28 =	simm.s32 $0x0;
	s31 =	simm.s32 $0x300;
	s19 =	simm.s32 $0x680  }
0x4d: {  	[tilespmem:s1], [sflag:$0x7] =	stream.indirect.gather [hbm4b:s2+s17], $0x80, s31, s17, $0xb8;
	[tilespmem:$0x1DC00] =	vst v63  }
.LBB2_2:
0x4e: {  	_ =	swait.ge [sflag:s0], $0x4000  }
0x4f: {  	[sflag:s0] =	ssyncset.done $0x0  }
0x50: {  	s29 =	sadd.s32 s28, s16;
	[sflag:s0] =	ssyncadd.s32 $0xFFFFC000  }
0x51: {  	[hbm4b:s29+s3] =	stream.linear.scatter [tilespmem:s20], [sflag:$0x8], $0x4000, $0x38;
	[tilespmem:$0x1DC00] =	vst v63  }
0x52: {  	_ =	swait.ge [sflag:s18], $0x4000  }
0x53: {  	[sflag:s18] =	ssyncset.done $0x0  }
0x54: {  	s4 =	sadd.s32 $0xFFFFFD00, s19;
	[sflag:s18] =	ssyncadd.s32 $0xFFFFC000  }
0x55: {  	[tilespmem:s20], [sflag:$0x1] =	stream.indirect.gather [hbm4b:s2+s17], $0x80, s4, s17, $0xb8;
	[tilespmem:$0x1DC00] =	vst v63  }
0x56: {  	_ =	swait.ge [sflag:s22], $0x4000  }
0x57: {  	s9 =	sadd.s32 s28, s15;
	p0 =	seq.s32 s28, $0x2A0000;
	[sflag:s22] =	ssyncset.done $0x0  }
0x58: {  	s29 =	simm.s32 @p0 $0x3;
	s4 =	simm.s32 $0x5C00;
	[sflag:s22] =	ssyncadd.s32 $0xFFFFC000  }
0x59: {  	[hbm4b:s9+s3] =	stream.linear.scatter [tilespmem:s4], [sflag:$0x9], $0x4000, $0x38;
	[tilespmem:$0x1DC00] =	vst v63  }
0x5a: {  	_ =	swait.ge @p0 [sflag:s29], $0x4000  }
0x5b: {  	[sflag:s29] =	ssyncset.done @p0 $0x0  }
0x5c: {  	s31 =	simm.s32 @p0 $0x9C00;
	[sflag:s29] =	ssyncadd.s32 @p0 $0xFFFFC000;
	s29 =	simm.s32 @p0 $0x0  }
0x5d: {  	[hbm4b:s7+s29] =	stream.linear.scatter @p0 [tilespmem:s31], [sflag:$0xA], $0x4000, $0x38;
	[tilespmem:$0x1DC00] =	vst v63  }
0x5e: {  	s31 =	simm.s32 @!p0 $0x9  }
0x5f: {  	_ =	swait.ge @!p0 [sflag:s31], $0x4000  }
0x60: {  	s4 =	simm.s32 @!p0 $0x80;
	[sflag:s31] =	ssyncset.done @!p0 $0x0  }
0x61: {  	s9 =	simm.s32 @!p0 $0x5C00;
	[sflag:s31] =	ssyncadd.s32 @!p0 $0xFFFFC000;
	s31 =	sadd.s32 @!p0 $0xFFFFFD80, s19  }
0x62: {  	[tilespmem:s9], [sflag:$0x2] =	stream.indirect.gather @!p0 [hbm4b:s2+s4], $0x80, s31, s4, $0xb8;
	[tilespmem:$0x1DC00] =	vst v63  }
0x63: {  	s9 =	simm.s32 @!p0 $0x3  }
0x64: {  	_ =	swait.ge @!p0 [sflag:s9], $0x4000  }
0x65: {  	s21 =	simm.s32 @!p0 $0x9C00;
	[sflag:s9] =	ssyncset.done @!p0 $0x0  }
0x66: {  	s31 =	simm.s32 @!p0 $0x0;
	[sflag:s9] =	ssyncadd.s32 @!p0 $0xFFFFC000;
	s9 =	sadd.s32 @!p0 s28, s14  }
0x67: {  	[hbm4b:s9+s31] =	stream.linear.scatter @!p0 [tilespmem:s21], [sflag:$0xA], $0x4000, $0x38;
	[tilespmem:$0x1DC00] =	vst v63  }
0x68: {  	s9 =	simm.s32 @!p0 $0xA  }
0x69: {  	_ =	swait.ge @!p0 [sflag:s9], $0x4000  }
0x6a: {  	[sflag:s9] =	ssyncset.done @!p0 $0x0  }
0x6b: {  	[sflag:s9] =	ssyncadd.s32 @!p0 $0xFFFFC000;
	s9 =	sadd.s32 @!p0 $0xFFFFFE00, s19  }
0x6c: {  	[tilespmem:s21], [sflag:$0x3] =	stream.indirect.gather @!p0 [hbm4b:s2+s4], $0x80, s9, s4, $0xb8;
	[tilespmem:$0x1DC00] =	vst v63  }
0x6d: {  	_ =	swait.ge [sflag:s23], $0x4000  }
0x6e: {  	[sflag:s23] =	ssyncset.done $0x0  }
0x6f: {  	s21 =	sadd.s32 s28, s13;
	s9 =	simm.s32 @p0 $0x5;
	[sflag:s23] =	ssyncadd.s32 $0xFFFFC000  }
0x70: {  	[hbm4b:s21+s3] =	stream.linear.scatter [tilespmem:s25], [sflag:$0xB], $0x4000, $0x38;
	[tilespmem:$0x1DC00] =	vst v63  }
0x71: {  	_ =	swait.ge @p0 [sflag:s9], $0x4000  }
0x72: {  	[sflag:s9] =	ssyncset.done @p0 $0x0  }
0x73: {  	[sflag:s9] =	ssyncadd.s32 @p0 $0xFFFFC000;
	s9 =	simm.s32 @p0 $0x11C00  }
0x74: {  	[hbm4b:s8+s29] =	stream.linear.scatter @p0 [tilespmem:s9], [sflag:$0xC], $0x4000, $0x38;
	[tilespmem:$0x1DC00] =	vst v63  }
0x75: {  	s9 =	simm.s32 @!p0 $0xB  }
0x76: {  	_ =	swait.ge @!p0 [sflag:s9], $0x4000  }
0x77: {  	[sflag:s9] =	ssyncset.done @!p0 $0x0  }
0x78: {  	s21 =	simm.s32 @!p0 $0xDC00;
	[sflag:s9] =	ssyncadd.s32 @!p0 $0xFFFFC000;
	s9 =	sadd.s32 @!p0 $0xFFFFFE80, s19  }
0x79: {  	[tilespmem:s21], [sflag:$0x4] =	stream.indirect.gather @!p0 [hbm4b:s2+s4], $0x80, s9, s4, $0xb8;
	[tilespmem:$0x1DC00] =	vst v63  }
0x7a: {  	s9 =	simm.s32 @!p0 $0x5  }
0x7b: {  	_ =	swait.ge @!p0 [sflag:s9], $0x4000  }
0x7c: {  	[sflag:s9] =	ssyncset.done @!p0 $0x0  }
0x7d: {  	s21 =	simm.s32 @!p0 $0x11C00;
	[sflag:s9] =	ssyncadd.s32 @!p0 $0xFFFFC000;
	s9 =	sadd.s32 @!p0 s28, s12  }
0x7e: {  	[hbm4b:s9+s31] =	stream.linear.scatter @!p0 [tilespmem:s21], [sflag:$0xC], $0x4000, $0x38;
	[tilespmem:$0x1DC00] =	vst v63  }
0x7f: {  	s9 =	simm.s32 @!p0 $0xC  }
0x80: {  	_ =	swait.ge @!p0 [sflag:s9], $0x4000  }
0x81: {  	[sflag:s9] =	ssyncset.done @!p0 $0x0  }
0x82: {  	[sflag:s9] =	ssyncadd.s32 @!p0 $0xFFFFC000;
	s9 =	sadd.s32 @!p0 $0xFFFFFF00, s19  }
0x83: {  	[tilespmem:s21], [sflag:$0x5] =	stream.indirect.gather @!p0 [hbm4b:s2+s4], $0x80, s9, s4, $0xb8;
	[tilespmem:$0x1DC00] =	vst v63  }
.Ltmp2:
0x84: {  	_ = 	snop;
	(pc) =	sbr.rel @p0 .LBB2_4-.Ltmp2, $4  }
0x85: {  	_ =	swait.ge [sflag:s24], $0x4000  }
0x86: {  	[sflag:s24] =	ssyncset.done $0x0  }
0x87: {  	s31 =	sadd.s32 s28, s11;
	[sflag:s24] =	ssyncadd.s32 $0xFFFFC000  }
0x88: {  	[hbm4b:s31+s3] =	stream.linear.scatter [tilespmem:s30], [sflag:$0xD], $0x4000, $0x38;
	[tilespmem:$0x1DC00] =	vst v63  }
0x89: {  	_ =	swait.ge [sflag:s5], $0x4000  }
0x8a: {  	[sflag:s5] =	ssyncset.done $0x0  }
0x8b: {  	s4 =	sadd.s32 $0xFFFFFF80, s19;
	[sflag:s5] =	ssyncadd.s32 $0xFFFFC000  }
0x8c: {  	[tilespmem:s30], [sflag:$0x6] =	stream.indirect.gather [hbm4b:s2+s17], $0x80, s4, s17, $0xb8;
	[tilespmem:$0x1DC00] =	vst v63  }
0x8d: {  	_ =	swait.ge [sflag:s26], $0x4000  }
0x8e: {  	[sflag:s26] =	ssyncset.done $0x0  }
0x8f: {  	s31 =	sadd.s32 s28, s10;
	[sflag:s26] =	ssyncadd.s32 $0xFFFFC000  }
0x90: {  	[hbm4b:s31+s3] =	stream.linear.scatter [tilespmem:s1], [sflag:$0xE], $0x4000, $0x38;
	[tilespmem:$0x1DC00] =	vst v63  }
.Ltmp3:
0x91: {  	_ =	swait.ge [sflag:s6], $0x4000;
	(pc) =	sbr.rel .LBB2_2-.Ltmp3, $4  }
0x92: {  	[sflag:s6] =	ssyncset.done $0x0  }
0x93: {  	[sflag:s6] =	ssyncadd.s32 $0xFFFFC000  }
0x94: {  	[tilespmem:s1], [sflag:$0x7] =	stream.indirect.gather [hbm4b:s2+s17], $0x80, s19, s17, $0xb8;
	[tilespmem:$0x1DC00] =	vst v63  }
0x95: {  	s28 =	sadd.s32 $0x70000, s28;
	s19 =	sadd.s32 $0x380, s19  }
.LBB2_5:
0x96: {  	_ =	sfence.sel $0x180000  }
0x97: {  	[bflag:$0x0] =	sbarrier.arrive $0xFFFF  }
0x98: {  	_ =	strace $0x90000047  }
0x99: {  	s0 =	stileid.u32;
	[bflag:$0x2] =	sbarrier.arrive $0xFFFF  }
0x9a: {  	p0 =	sne.s32 s0, $0x0;
	s0 =	rddreg [dreg:$0x3]  }
0x9b: {  	s0 =	sadd.s32 @!p0 $0x100000, s0  }
0x9c: {  	[sflag:s0] =	ssyncadd.tile.s32 @!p0 $0x1;
	_ =	shalt  }
.Lfunc_end2:
_tile_overlayer_lowered:
.L_overlay_start_2:
0x9d: {  	(tag) =	ssettag $0x2  }
0x9e: {  	s0 =	rddreg [dreg:$0x0];
	s2 =	stileid.u32  }
0x9f: {  	s1 =	rddreg [dreg:$0x1];
	p0 =	sne.s32 s2, $0x0  }
0xa0: {  	s3 =	rddreg [dreg:$0x2];
	[bflag:$0x3] =	sbarrier.arrive $0xFFFF;
	s2 =	simm.s32 @!p0 $0x1C0F  }
0xa1: {  	[timem:s3], [sflag:s2] =	dma.local @!p0 [hbm:s0], s1  }
0xa2: {  	s0 =	simm.s32 @!p0 $0xF  }
0xa3: {  	_ =	swait.ge @!p0 [sflag:s0], s1  }
0xa4: {  	s1 =	ssub.s32 @!p0 $0x0, s1;
	[sflag:s0] =	ssyncset.done @!p0 $0x0  }
0xa5: {  	[sflag:s0] =	ssyncadd.s32 @!p0 s1  }
0xa6: {  	[bflag:$0x3] =	sbarrier.arrive $0xFFFF  }
0xa7: {  	_ =	shalt  }

</sc_bundles>
